<compile_context>
chip_gen: v7x
topology: tpu7x:2x2x1
jax: 0.10.2.dev20260603
libtpu: 0.0.44.dev20260713+nightly
codegen_flags: <defaults>
</compile_context>

<pallas_src>
import functools

import jax
import jax.numpy as jnp
from jax import lax
from jax.experimental import pallas as pl
from jax.experimental.pallas import tpu as pltpu
from jax.experimental.pallas import tpu_sc as plsc


def _sc_scatter_kernel(NP, ED, E, NC, NS, CH):
    NW = NC * NS
    EPW = E // NW
    NCHUNK = EPW // CH
    RPT = NP // NS

    mesh = plsc.VectorSubcoreMesh(core_axis_name="c", subcore_axis_name="s")

    NBUF = 3

    @functools.partial(
        pl.kernel,
        out_type=jax.ShapeDtypeStruct((NC, NP, ED), jnp.float32),
        mesh=mesh,
        scratch_types=[
            pltpu.VMEM((NCHUNK, CH), jnp.int32),
            pltpu.VMEM((NBUF, CH, ED), jnp.float32),
            pltpu.VMEM_SHARED((NP, ED), jnp.float32),
            [pltpu.SemaphoreType.DMA] * NBUF,
        ],
    )
    def scatter(col_hbm, ea_hbm, zeros_hbm, out_hbm, idx_v, buf_v, agg_s, sems):
        c = lax.axis_index("c")
        s = lax.axis_index("s")
        wid = s * NC + c
        ebase = wid * EPW

        pltpu.sync_copy(zeros_hbm, agg_s.at[pl.ds(s * RPT, RPT)])
        pltpu.sync_copy(col_hbm.at[wid], idx_v)
        plsc.subcore_barrier()

        for b in range(NBUF):
            pltpu.async_copy(ea_hbm.at[pl.ds(ebase + b * CH, CH)],
                             buf_v.at[b], sems[b])

        def step(j, b):
            pltpu.make_async_copy(ea_hbm.at[pl.ds(ebase, CH)],
                                  buf_v.at[b], sems[b]).wait()
            pltpu.sync_copy(buf_v.at[b], agg_s.at[idx_v.at[j]], add=True)
            nj = j + NBUF

            @pl.when(nj < NCHUNK)
            def _():
                pltpu.async_copy(ea_hbm.at[pl.ds(ebase + nj * CH, CH)],
                                 buf_v.at[b], sems[b])

        def body(jq, carry):
            for b in range(NBUF):
                step(jq * NBUF + b, b)
            return carry

        NQ = NCHUNK // NBUF
        lax.fori_loop(0, NQ, body, 0)
        for b in range(NCHUNK % NBUF):
            step(jnp.int32(NQ * NBUF + b), b)
        plsc.subcore_barrier()

        pltpu.sync_copy(agg_s.at[pl.ds(s * RPT, RPT)],
                        out_hbm.at[c].at[pl.ds(s * RPT, RPT)])

    return scatter


def _ln(h, g, b):
    m = jnp.mean(h, axis=-1, keepdims=True)
    v = jnp.mean((h - m) ** 2, axis=-1, keepdims=True)
    return (h - m) * lax.rsqrt(v + 1e-5) * g + b


def _gelu(h):
    return h * 0.5 * (1.0 + lax.erf(h * (2.0 ** -0.5)))


def _mlp_a_body(x_ref, oh_ref, u_ref, w1a, w1c, b1, h1p_ref):
    uw = jnp.dot(u_ref[...], w1c[...], preferred_element_type=jnp.float32)
    h1p_ref[...] = (jnp.dot(x_ref[...], w1a[...],
                            preferred_element_type=jnp.float32)
                    + jnp.dot(oh_ref[...], uw,
                              preferred_element_type=jnp.float32)
                    + b1[...]).astype(jnp.bfloat16)


def _lngelu(h, g, b):
    m = jnp.mean(h, axis=-1, keepdims=True)
    v = jnp.mean((h - m) ** 2, axis=-1, keepdims=True)
    a = (h - m) * lax.rsqrt(v + 1e-5) * g + b
    u = a * (2.0 ** -0.5)
    return u + u * lax.erf(a)


def _mlp_body(h1p_ref, aggp_ref,
              w1b, g1, be1,
              w2, b2, g2, be2,
              w3, b3, g3, be3,
              w4, b4, out_ref):
    agg = aggp_ref[0] + aggp_ref[1]
    h = (h1p_ref[...].astype(jnp.float32)
         + jnp.dot(agg, w1b[...], preferred_element_type=jnp.float32))
    h = _lngelu(h, g1[...], be1[...])
    h = jnp.dot(h, w2[...], preferred_element_type=jnp.float32) + b2[...]
    h = _lngelu(h, g2[...], be2[...])
    h = jnp.dot(h, w3[...], preferred_element_type=jnp.float32) + b3[...]
    h = _lngelu(h, g3[...], be3[...])
    out_ref[...] = jnp.dot(h, w4[...], preferred_element_type=jnp.float32) + b4[...]


def kernel(x, edge_index, edge_attr, u, batch,
           W1, b1, g1, be1, W2, b2, g2, be2, W3, b3, g3, be3, W4, b4):
    N, ND = x.shape
    E, ED = edge_attr.shape
    B, GD = u.shape
    H = W2.shape[0]
    OUT = W4.shape[1]

    NC, NS, CH = 2, 16, 80
    NW = NC * NS
    EPW = E // NW
    NCHUNK = EPW // CH

    NP = ((N + 8 * NS - 1) // (8 * NS)) * (8 * NS)
    col = edge_index[1].reshape(NW, NCHUNK, CH)
    zeros = jnp.zeros((NP // NS, ED), jnp.float32)
    aggp = _sc_scatter_kernel(NP, ED, E, NC, NS, CH)(col, edge_attr, zeros)

    oh = (batch[:, None] == jnp.arange(B, dtype=batch.dtype)[None, :]
          ).astype(jnp.float32)

    isq = 2.0 ** -0.5
    R = 1000
    NBLK = N // R
    full = lambda shape: pl.BlockSpec(shape, lambda i: (0,) * len(shape))
    row2 = lambda d: pl.BlockSpec((R, d), lambda i: (i, 0))

    h1p = pl.pallas_call(
        _mlp_a_body,
        grid=(NBLK,),
        in_specs=[
            row2(ND),
            row2(B),
            full((B, GD)),
            full((ND, H)), full((GD, H)),
            full((1, H)),
        ],
        out_specs=row2(H),
        out_shape=jax.ShapeDtypeStruct((N, H), jnp.bfloat16),
    )(x, oh, u, W1[:ND], W1[ND + ED:], b1.reshape(1, H))

    out = pl.pallas_call(
        _mlp_body,
        grid=(NBLK,),
        in_specs=[
            row2(H),
            pl.BlockSpec((NC, R, ED), lambda i: (0, i, 0)),
            full((ED, H)),
            full((1, H)), full((1, H)),
            full((H, H)), full((1, H)), full((1, H)), full((1, H)),
            full((H, H)), full((1, H)), full((1, H)), full((1, H)),
            full((H, OUT)), full((1, OUT)),
        ],
        out_specs=pl.BlockSpec((R, OUT), lambda i: (i, 0)),
        out_shape=jax.ShapeDtypeStruct((N, OUT), jnp.float32),
    )(h1p, aggp,
      W1[ND:ND + ED],
      (g1 * isq).reshape(1, H), (be1 * isq).reshape(1, H),
      W2, b2.reshape(1, H), (g2 * isq).reshape(1, H), (be2 * isq).reshape(1, H),
      W3, b3.reshape(1, H), (g3 * isq).reshape(1, H), (be3 * isq).reshape(1, H),
      W4, b4.reshape(1, OUT))
    return out

# --- scband reference (transcript-rebuilt; emitter-appended) ---
"""Pipeline reference for scband-node-model-2336462209371 (READ-ONLY COPY).

The authoritative reference and input builder live on the scoring server;
editing this copy changes nothing except your own understanding.
"""

import jax, jax.numpy as jnp
import numpy as np


def _ln(h, g, b):
    m = jnp.mean(h, axis=-1, keepdims=True)
    v = jnp.mean((h - m) ** 2, axis=-1, keepdims=True)
    return (h - m) / jnp.sqrt(v + 1e-5) * g + b


def setup_inputs(seed: int = 0):
    key = jax.random.key(seed)
    ks = jax.random.split(key, 16)
    N, E, ND, ED, GD, B, H, OUT = 10000, 320000, 512, 128, 128, 16, 1024, 512
    IN = ND + ED + GD
    x = jax.random.normal(ks[0], (N, ND), dtype=jnp.float32)
    edge_index = jax.random.randint(ks[1], (2, E), 0, N, dtype=jnp.int32)
    edge_attr = jax.random.normal(ks[2], (E, ED), dtype=jnp.float32)
    u = jax.random.normal(ks[3], (B, GD), dtype=jnp.float32)
    batch = jnp.sort(jax.random.randint(ks[4], (N,), 0, B, dtype=jnp.int32))
    W1 = jax.random.normal(ks[5], (IN, H), dtype=jnp.float32) / np.sqrt(IN)
    b1 = jnp.zeros((H,), jnp.float32)
    g1 = jnp.ones((H,), jnp.float32); be1 = jnp.zeros((H,), jnp.float32)
    W2 = jax.random.normal(ks[6], (H, H), dtype=jnp.float32) / np.sqrt(H)
    b2 = jnp.zeros((H,), jnp.float32)
    g2 = jnp.ones((H,), jnp.float32); be2 = jnp.zeros((H,), jnp.float32)
    W3 = jax.random.normal(ks[7], (H, H), dtype=jnp.float32) / np.sqrt(H)
    b3 = jnp.zeros((H,), jnp.float32)
    g3 = jnp.ones((H,), jnp.float32); be3 = jnp.zeros((H,), jnp.float32)
    W4 = jax.random.normal(ks[8], (H, OUT), dtype=jnp.float32) / np.sqrt(H)
    b4 = jnp.zeros((OUT,), jnp.float32)
    return {"x": x, "edge_index": edge_index, "edge_attr": edge_attr, "u": u, "batch": batch,
            "W1": W1, "b1": b1, "g1": g1, "be1": be1,
            "W2": W2, "b2": b2, "g2": g2, "be2": be2,
            "W3": W3, "b3": b3, "g3": g3, "be3": be3,
            "W4": W4, "b4": b4}


def reference(x, edge_index, edge_attr, u, batch, W1, b1, g1, be1, W2, b2, g2, be2, W3, b3, g3, be3, W4, b4):
    col = edge_index[1]
    agg = jnp.zeros((x.shape[0], edge_attr.shape[1]), edge_attr.dtype).at[col].add(edge_attr)
    h = jnp.concatenate([x, agg, u[batch]], axis=1)
    h = h @ W1 + b1
    h = jax.nn.gelu(_ln(h, g1, be1), approximate=False)
    h = h @ W2 + b2
    h = jax.nn.gelu(_ln(h, g2, be2), approximate=False)
    h = h @ W3 + b3
    h = jax.nn.gelu(_ln(h, g3, be3), approximate=False)
    return h @ W4 + b4

if __name__ == "__main__":
    import jax
    _d = setup_inputs()
    print(jax.jit(kernel)(*tuple(_d.values())))

</pallas_src>

<mosaic_0001>
#map = affine_map<(d0, d1) -> (0, 0, 0)>
#map1 = affine_map<(d0, d1) -> (0, 0)>
module attributes {stable_mosaic.version = 14 : i64} {
  func.func @scatter(%arg0: i32, %arg1: i32, %arg2: memref<32x125x80xi32, #tpu.memory_space<hbm>>, %arg3: memref<320000x128xf32, #tpu.memory_space<hbm>>, %arg4: memref<632x128xf32, #tpu.memory_space<hbm>>, %arg5: memref<2x10112x128xf32, #tpu.memory_space<hbm>>, %arg6: memref<125x80xi32, #tpu.memory_space<vmem>>, %arg7: memref<3x80x128xf32, #tpu.memory_space<vmem>>, %arg8: memref<10112x128xf32, #tpu.memory_space<vmem_shared>>, %arg9: memref<!tpu.dma_semaphore, #tpu.memory_space<semaphore_mem>>, %arg10: memref<!tpu.dma_semaphore, #tpu.memory_space<semaphore_mem>>, %arg11: memref<!tpu.dma_semaphore, #tpu.memory_space<semaphore_mem>>) attributes {dimension_semantics = [#tpu.dimension_semantics<core_parallel>, #tpu.dimension_semantics<subcore_parallel>], iteration_bounds = array<i64: 2, 16>, scalar_prefetch = 0 : i64, scratch_operands = 6 : i64, tpu.core_type = #tpu.core_type<sc_vector_subcore>, window_params = [{transform_indices = #map}, {transform_indices = #map1}, {transform_indices = #map1}, {transform_indices = #map}]} {
    %mul3A = arith.constant 2 : i32
    %mul3A_0 = arith.muli %arg1, %mul3A : i32
    %add3A = arith.addi %mul3A_0, %arg0 : i32
    %mul3A_1 = arith.constant 10000 : i32
    %mul3A_2 = arith.muli %add3A, %mul3A_1 : i32
    %mul3A_3 = arith.constant 632 : i32
    %mul3A_4 = arith.muli %arg1, %mul3A_3 : i32
    "tpu.region"() ({
      %run_scoped3A_100 = tpu.sem_alloc : memref<!tpu.dma_semaphore, #tpu.memory_space<semaphore_mem>>
      %dma_start3A_101 = arith.constant 0 : i32
      %dma_start3A_102 = tpu.memref_slice %arg8[%mul3A_4, %dma_start3A_101] : memref<10112x128xf32, #tpu.memory_space<vmem_shared>> -> memref<632x128xf32, #tpu.memory_space<vmem_shared>>
      tpu.enqueue_dma source(%arg4 : memref<632x128xf32, #tpu.memory_space<hbm>>) target(%dma_start3A_102 : memref<632x128xf32, #tpu.memory_space<vmem_shared>>) target_semaphore(%run_scoped3A_100 : memref<!tpu.dma_semaphore, #tpu.memory_space<semaphore_mem>>)
      %dma_wait3A_103 = arith.constant 0 : i32
      %dma_wait3A_104 = tpu.memref_slice %arg8[%mul3A_4, %dma_wait3A_103] : memref<10112x128xf32, #tpu.memory_space<vmem_shared>> -> memref<632x128xf32, #tpu.memory_space<vmem_shared>>
      tpu.wait_dma2 semaphore(%run_scoped3A_100 : memref<!tpu.dma_semaphore, #tpu.memory_space<semaphore_mem>>) src(%arg4 : memref<632x128xf32, #tpu.memory_space<hbm>>) dst(%dma_wait3A_104 : memref<632x128xf32, #tpu.memory_space<vmem_shared>>)
      tpu.yield
    }) : () -> ()
    "tpu.region"() ({
      %run_scoped3A_100 = tpu.sem_alloc : memref<!tpu.dma_semaphore, #tpu.memory_space<semaphore_mem>>
      %dma_start3A_101 = arith.constant 0 : i32
      %dma_start3A_102 = arith.constant 0 : i32
      %dma_start3A_103 = tpu.memref_slice %arg2[%add3A, %dma_start3A_101, %dma_start3A_102] : memref<32x125x80xi32, #tpu.memory_space<hbm>> -> memref<1x125x80xi32, #tpu.memory_space<hbm>>
      %dma_start3A_104 = tpu.memref_squeeze %dma_start3A_103 : memref<1x125x80xi32, #tpu.memory_space<hbm>> -> memref<125x80xi32, #tpu.memory_space<hbm>>
      %dma_start3A_105 = arith.constant 0 : i32
      %dma_start3A_106 = arith.constant 0 : i32
      %dma_start3A_107 = tpu.memref_slice %arg2[%add3A, %dma_start3A_105, %dma_start3A_106] : memref<32x125x80xi32, #tpu.memory_space<hbm>> -> memref<1x125x80xi32, #tpu.memory_space<hbm>>
      %dma_start3A_108 = tpu.memref_squeeze %dma_start3A_107 : memref<1x125x80xi32, #tpu.memory_space<hbm>> -> memref<125x80xi32, #tpu.memory_space<hbm>>
      tpu.enqueue_dma source(%dma_start3A_108 : memref<125x80xi32, #tpu.memory_space<hbm>>) target(%arg6 : memref<125x80xi32, #tpu.memory_space<vmem>>) target_semaphore(%run_scoped3A_100 : memref<!tpu.dma_semaphore, #tpu.memory_space<semaphore_mem>>)
      %dma_wait3A_109 = arith.constant 0 : i32
      %dma_wait3A_110 = arith.constant 0 : i32
      %dma_wait3A_111 = tpu.memref_slice %arg2[%add3A, %dma_wait3A_109, %dma_wait3A_110] : memref<32x125x80xi32, #tpu.memory_space<hbm>> -> memref<1x125x80xi32, #tpu.memory_space<hbm>>
      %dma_wait3A_112 = tpu.memref_squeeze %dma_wait3A_111 : memref<1x125x80xi32, #tpu.memory_space<hbm>> -> memref<125x80xi32, #tpu.memory_space<hbm>>
      %dma_wait3A_113 = arith.constant 0 : i32
      %dma_wait3A_114 = arith.constant 0 : i32
      %dma_wait3A_115 = tpu.memref_slice %arg2[%add3A, %dma_wait3A_113, %dma_wait3A_114] : memref<32x125x80xi32, #tpu.memory_space<hbm>> -> memref<1x125x80xi32, #tpu.memory_space<hbm>>
      %dma_wait3A_116 = tpu.memref_squeeze %dma_wait3A_115 : memref<1x125x80xi32, #tpu.memory_space<hbm>> -> memref<125x80xi32, #tpu.memory_space<hbm>>
      tpu.wait_dma2 semaphore(%run_scoped3A_100 : memref<!tpu.dma_semaphore, #tpu.memory_space<semaphore_mem>>) src(%dma_wait3A_116 : memref<125x80xi32, #tpu.memory_space<hbm>>) dst(%arg6 : memref<125x80xi32, #tpu.memory_space<vmem>>)
      tpu.yield
    }) : () -> ()
    %barrier3A = arith.constant 0 : index
    tpu.barrier barrier_id(%barrier3A)
    %add3A_5 = arith.constant 0 : i32
    %add3A_6 = arith.addi %mul3A_2, %add3A_5 : i32
    %dma_start3A = arith.constant 0 : i32
    %dma_start3A_7 = arith.constant 0 : i32
    %dma_start3A_8 = arith.constant 0 : i32
    %dma_start3A_9 = tpu.memref_slice %arg7[%dma_start3A, %dma_start3A_7, %dma_start3A_8] : memref<3x80x128xf32, #tpu.memory_space<vmem>> -> memref<1x80x128xf32, #tpu.memory_space<vmem>>
    %dma_start3A_10 = tpu.memref_squeeze %dma_start3A_9 : memref<1x80x128xf32, #tpu.memory_space<vmem>> -> memref<80x128xf32, #tpu.memory_space<vmem>>
    %dma_start3A_11 = arith.constant 0 : i32
    %dma_start3A_12 = tpu.memref_slice %arg3[%add3A_6, %dma_start3A_11] : memref<320000x128xf32, #tpu.memory_space<hbm>> -> memref<80x128xf32, #tpu.memory_space<hbm>>
    %dma_start3A_13 = arith.constant 0 : i32
    %dma_start3A_14 = arith.constant 0 : i32
    %dma_start3A_15 = tpu.memref_slice %arg7[%dma_start3A, %dma_start3A_13, %dma_start3A_14] : memref<3x80x128xf32, #tpu.memory_space<vmem>> -> memref<1x80x128xf32, #tpu.memory_space<vmem>>
    %dma_start3A_16 = tpu.memref_squeeze %dma_start3A_15 : memref<1x80x128xf32, #tpu.memory_space<vmem>> -> memref<80x128xf32, #tpu.memory_space<vmem>>
    %dma_start3A_17 = arith.constant 0 : i32
    %dma_start3A_18 = tpu.memref_slice %arg3[%add3A_6, %dma_start3A_17] : memref<320000x128xf32, #tpu.memory_space<hbm>> -> memref<80x128xf32, #tpu.memory_space<hbm>>
    tpu.enqueue_dma source(%dma_start3A_18 : memref<80x128xf32, #tpu.memory_space<hbm>>) target(%dma_start3A_16 : memref<80x128xf32, #tpu.memory_space<vmem>>) target_semaphore(%arg9 : memref<!tpu.dma_semaphore, #tpu.memory_space<semaphore_mem>>)
    %add3A_19 = arith.constant 80 : i32
    %add3A_20 = arith.addi %mul3A_2, %add3A_19 : i32
    %dma_start3A_21 = arith.constant 1 : i32
    %dma_start3A_22 = arith.constant 0 : i32
    %dma_start3A_23 = arith.constant 0 : i32
    %dma_start3A_24 = tpu.memref_slice %arg7[%dma_start3A_21, %dma_start3A_22, %dma_start3A_23] : memref<3x80x128xf32, #tpu.memory_space<vmem>> -> memref<1x80x128xf32, #tpu.memory_space<vmem>>
    %dma_start3A_25 = tpu.memref_squeeze %dma_start3A_24 : memref<1x80x128xf32, #tpu.memory_space<vmem>> -> memref<80x128xf32, #tpu.memory_space<vmem>>
    %dma_start3A_26 = arith.constant 0 : i32
    %dma_start3A_27 = tpu.memref_slice %arg3[%add3A_20, %dma_start3A_26] : memref<320000x128xf32, #tpu.memory_space<hbm>> -> memref<80x128xf32, #tpu.memory_space<hbm>>
    %dma_start3A_28 = arith.constant 0 : i32
    %dma_start3A_29 = arith.constant 0 : i32
    %dma_start3A_30 = tpu.memref_slice %arg7[%dma_start3A_21, %dma_start3A_28, %dma_start3A_29] : memref<3x80x128xf32, #tpu.memory_space<vmem>> -> memref<1x80x128xf32, #tpu.memory_space<vmem>>
    %dma_start3A_31 = tpu.memref_squeeze %dma_start3A_30 : memref<1x80x128xf32, #tpu.memory_space<vmem>> -> memref<80x128xf32, #tpu.memory_space<vmem>>
    %dma_start3A_32 = arith.constant 0 : i32
    %dma_start3A_33 = tpu.memref_slice %arg3[%add3A_20, %dma_start3A_32] : memref<320000x128xf32, #tpu.memory_space<hbm>> -> memref<80x128xf32, #tpu.memory_space<hbm>>
    tpu.enqueue_dma source(%dma_start3A_33 : memref<80x128xf32, #tpu.memory_space<hbm>>) target(%dma_start3A_31 : memref<80x128xf32, #tpu.memory_space<vmem>>) target_semaphore(%arg10 : memref<!tpu.dma_semaphore, #tpu.memory_space<semaphore_mem>>)
    %add3A_34 = arith.constant 160 : i32
    %add3A_35 = arith.addi %mul3A_2, %add3A_34 : i32
    %dma_start3A_36 = arith.constant 2 : i32
    %dma_start3A_37 = arith.constant 0 : i32
    %dma_start3A_38 = arith.constant 0 : i32
    %dma_start3A_39 = tpu.memref_slice %arg7[%dma_start3A_36, %dma_start3A_37, %dma_start3A_38] : memref<3x80x128xf32, #tpu.memory_space<vmem>> -> memref<1x80x128xf32, #tpu.memory_space<vmem>>
    %dma_start3A_40 = tpu.memref_squeeze %dma_start3A_39 : memref<1x80x128xf32, #tpu.memory_space<vmem>> -> memref<80x128xf32, #tpu.memory_space<vmem>>
    %dma_start3A_41 = arith.constant 0 : i32
    %dma_start3A_42 = tpu.memref_slice %arg3[%add3A_35, %dma_start3A_41] : memref<320000x128xf32, #tpu.memory_space<hbm>> -> memref<80x128xf32, #tpu.memory_space<hbm>>
    %dma_start3A_43 = arith.constant 0 : i32
    %dma_start3A_44 = arith.constant 0 : i32
    %dma_start3A_45 = tpu.memref_slice %arg7[%dma_start3A_36, %dma_start3A_43, %dma_start3A_44] : memref<3x80x128xf32, #tpu.memory_space<vmem>> -> memref<1x80x128xf32, #tpu.memory_space<vmem>>
    %dma_start3A_46 = tpu.memref_squeeze %dma_start3A_45 : memref<1x80x128xf32, #tpu.memory_space<vmem>> -> memref<80x128xf32, #tpu.memory_space<vmem>>
    %dma_start3A_47 = arith.constant 0 : i32
    %dma_start3A_48 = tpu.memref_slice %arg3[%add3A_35, %dma_start3A_47] : memref<320000x128xf32, #tpu.memory_space<hbm>> -> memref<80x128xf32, #tpu.memory_space<hbm>>
    tpu.enqueue_dma source(%dma_start3A_48 : memref<80x128xf32, #tpu.memory_space<hbm>>) target(%dma_start3A_46 : memref<80x128xf32, #tpu.memory_space<vmem>>) target_semaphore(%arg11 : memref<!tpu.dma_semaphore, #tpu.memory_space<semaphore_mem>>)
    %scan3A = arith.constant 0 : i32
    %scan3A_49 = arith.constant 0 : i32
    %scan3A_50 = arith.constant 41 : i32
    %scan3A_51 = arith.addi %scan3A_49, %scan3A_50 : i32
    %scan3A_52 = arith.constant 1 : i32
    scf.for %scan3A_100 = %scan3A_49 to %scan3A_51 step %scan3A_52  : i32 {
      %mul3A_101 = arith.constant 3 : i32
      %mul3A_102 = arith.muli %scan3A_100, %mul3A_101 : i32
      %add3A_103 = arith.constant 0 : i32
      %add3A_104 = arith.addi %mul3A_102, %add3A_103 : i32
      %dma_wait3A_105 = arith.constant 0 : i32
      %dma_wait3A_106 = arith.constant 0 : i32
      %dma_wait3A_107 = arith.constant 0 : i32
      %dma_wait3A_108 = tpu.memref_slice %arg7[%dma_wait3A_105, %dma_wait3A_106, %dma_wait3A_107] : memref<3x80x128xf32, #tpu.memory_space<vmem>> -> memref<1x80x128xf32, #tpu.memory_space<vmem>>
      %dma_wait3A_109 = tpu.memref_squeeze %dma_wait3A_108 : memref<1x80x128xf32, #tpu.memory_space<vmem>> -> memref<80x128xf32, #tpu.memory_space<vmem>>
      %dma_wait3A_110 = arith.constant 0 : i32
      %dma_wait3A_111 = tpu.memref_slice %arg3[%mul3A_2, %dma_wait3A_110] : memref<320000x128xf32, #tpu.memory_space<hbm>> -> memref<80x128xf32, #tpu.memory_space<hbm>>
      %dma_wait3A_112 = arith.constant 0 : i32
      %dma_wait3A_113 = arith.constant 0 : i32
      %dma_wait3A_114 = tpu.memref_slice %arg7[%dma_wait3A_105, %dma_wait3A_112, %dma_wait3A_113] : memref<3x80x128xf32, #tpu.memory_space<vmem>> -> memref<1x80x128xf32, #tpu.memory_space<vmem>>
      %dma_wait3A_115 = tpu.memref_squeeze %dma_wait3A_114 : memref<1x80x128xf32, #tpu.memory_space<vmem>> -> memref<80x128xf32, #tpu.memory_space<vmem>>
      %dma_wait3A_116 = arith.constant 0 : i32
      %dma_wait3A_117 = tpu.memref_slice %arg3[%mul3A_2, %dma_wait3A_116] : memref<320000x128xf32, #tpu.memory_space<hbm>> -> memref<80x128xf32, #tpu.memory_space<hbm>>
      tpu.wait_dma2 semaphore(%arg9 : memref<!tpu.dma_semaphore, #tpu.memory_space<semaphore_mem>>) src(%dma_wait3A_117 : memref<80x128xf32, #tpu.memory_space<hbm>>) dst(%dma_wait3A_115 : memref<80x128xf32, #tpu.memory_space<vmem>>)
      %run_scoped3A_118 = arith.constant 0 : i32
      "tpu.region"() ({
        %run_scoped3A_176 = tpu.sem_alloc : memref<!tpu.dma_semaphore, #tpu.memory_space<semaphore_mem>>
        %dma_start3A_177 = arith.constant 0 : i32
        %dma_start3A_178 = arith.constant 0 : i32
        %dma_start3A_179 = tpu.memref_slice %arg7[%run_scoped3A_118, %dma_start3A_177, %dma_start3A_178] : memref<3x80x128xf32, #tpu.memory_space<vmem>> -> memref<1x80x128xf32, #tpu.memory_space<vmem>>
        %dma_start3A_180 = tpu.memref_squeeze %dma_start3A_179 : memref<1x80x128xf32, #tpu.memory_space<vmem>> -> memref<80x128xf32, #tpu.memory_space<vmem>>
        %dma_start3A_181 = arith.constant 0 : i32
        %dma_start3A_182 = tpu.memref_slice %arg6[%add3A_104, %dma_start3A_181] : memref<125x80xi32, #tpu.memory_space<vmem>> -> memref<1x80xi32, #tpu.memory_space<vmem>>
        %dma_start3A_183 = tpu.memref_squeeze %dma_start3A_182 : memref<1x80xi32, #tpu.memory_space<vmem>> -> memref<80xi32, #tpu.memory_space<vmem>>
        %dma_start3A_184 = arith.constant 0 : i32
        %dma_start3A_185 = arith.constant 0 : i32
        %dma_start3A_186 = tpu.memref_slice %arg8[%dma_start3A_184, %dma_start3A_185] : memref<10112x128xf32, #tpu.memory_space<vmem_shared>> -> memref<10112x128xf32, #tpu.memory_space<vmem_shared>>
        tpu.enqueue_indirect_dma source(%dma_start3A_180 : memref<80x128xf32, #tpu.memory_space<vmem>>) target(%dma_start3A_186 : memref<10112x128xf32, #tpu.memory_space<vmem_shared>>) offsets(%dma_start3A_183 : memref<80xi32, #tpu.memory_space<vmem>>) semaphore(%run_scoped3A_176 : memref<!tpu.dma_semaphore, #tpu.memory_space<semaphore_mem>>) {add = true}
        %dma_wait3A_187 = arith.constant 0 : i32
        %dma_wait3A_188 = arith.constant 0 : i32
        %dma_wait3A_189 = tpu.memref_slice %arg7[%run_scoped3A_118, %dma_wait3A_187, %dma_wait3A_188] : memref<3x80x128xf32, #tpu.memory_space<vmem>> -> memref<1x80x128xf32, #tpu.memory_space<vmem>>
        %dma_wait3A_190 = tpu.memref_squeeze %dma_wait3A_189 : memref<1x80x128xf32, #tpu.memory_space<vmem>> -> memref<80x128xf32, #tpu.memory_space<vmem>>
        %dma_wait3A_191 = arith.constant 0 : i32
        %dma_wait3A_192 = tpu.memref_slice %arg6[%add3A_104, %dma_wait3A_191] : memref<125x80xi32, #tpu.memory_space<vmem>> -> memref<1x80xi32, #tpu.memory_space<vmem>>
        %dma_wait3A_193 = tpu.memref_squeeze %dma_wait3A_192 : memref<1x80xi32, #tpu.memory_space<vmem>> -> memref<80xi32, #tpu.memory_space<vmem>>
        %dma_wait3A_194 = arith.constant 0 : i32
        %dma_wait3A_195 = arith.constant 0 : i32
        %dma_wait3A_196 = tpu.memref_slice %arg8[%dma_wait3A_194, %dma_wait3A_195] : memref<10112x128xf32, #tpu.memory_space<vmem_shared>> -> memref<10112x128xf32, #tpu.memory_space<vmem_shared>>
        tpu.wait_indirect_dma semaphore(%run_scoped3A_176 : memref<!tpu.dma_semaphore, #tpu.memory_space<semaphore_mem>>) src(%dma_wait3A_190 : memref<80x128xf32, #tpu.memory_space<vmem>>) dst(%dma_wait3A_196 : memref<10112x128xf32, #tpu.memory_space<vmem_shared>>)
        tpu.yield
      }) : () -> ()
      %add3A_119 = arith.constant 3 : i32
      %add3A_120 = arith.addi %add3A_104, %add3A_119 : i32
      %lt3A_121 = arith.constant 125 : i32
      %lt3A_122 = arith.cmpi slt, %add3A_120, %lt3A_121 : i32
      %convert_element_type3A_123 = arith.extui %lt3A_122 : i1 to i32
      %cond3A_124 = arith.constant 0 : i32
      %cond3A_125 = arith.cmpi ne, %convert_element_type3A_123, %cond3A_124 : i32
      scf.if %cond3A_125 {
        %mul3A_176 = arith.constant 80 : i32
        %mul3A_177 = arith.muli %add3A_120, %mul3A_176 : i32
        %add3A_178 = arith.addi %mul3A_2, %mul3A_177 : i32
        %dma_start3A_179 = arith.constant 0 : i32
        %dma_start3A_180 = arith.constant 0 : i32
        %dma_start3A_181 = arith.constant 0 : i32
        %dma_start3A_182 = tpu.memref_slice %arg7[%dma_start3A_179, %dma_start3A_180, %dma_start3A_181] : memref<3x80x128xf32, #tpu.memory_space<vmem>> -> memref<1x80x128xf32, #tpu.memory_space<vmem>>
        %dma_start3A_183 = tpu.memref_squeeze %dma_start3A_182 : memref<1x80x128xf32, #tpu.memory_space<vmem>> -> memref<80x128xf32, #tpu.memory_space<vmem>>
        %dma_start3A_184 = arith.constant 0 : i32
        %dma_start3A_185 = tpu.memref_slice %arg3[%add3A_178, %dma_start3A_184] : memref<320000x128xf32, #tpu.memory_space<hbm>> -> memref<80x128xf32, #tpu.memory_space<hbm>>
        %dma_start3A_186 = arith.constant 0 : i32
        %dma_start3A_187 = arith.constant 0 : i32
        %dma_start3A_188 = tpu.memref_slice %arg7[%dma_start3A_179, %dma_start3A_186, %dma_start3A_187] : memref<3x80x128xf32, #tpu.memory_space<vmem>> -> memref<1x80x128xf32, #tpu.memory_space<vmem>>
        %dma_start3A_189 = tpu.memref_squeeze %dma_start3A_188 : memref<1x80x128xf32, #tpu.memory_space<vmem>> -> memref<80x128xf32, #tpu.memory_space<vmem>>
        %dma_start3A_190 = arith.constant 0 : i32
        %dma_start3A_191 = tpu.memref_slice %arg3[%add3A_178, %dma_start3A_190] : memref<320000x128xf32, #tpu.memory_space<hbm>> -> memref<80x128xf32, #tpu.memory_space<hbm>>
        tpu.enqueue_dma source(%dma_start3A_191 : memref<80x128xf32, #tpu.memory_space<hbm>>) target(%dma_start3A_189 : memref<80x128xf32, #tpu.memory_space<vmem>>) target_semaphore(%arg9 : memref<!tpu.dma_semaphore, #tpu.memory_space<semaphore_mem>>)
      } else {
      }
      %mul3A_126 = arith.constant 3 : i32
      %mul3A_127 = arith.muli %scan3A_100, %mul3A_126 : i32
      %add3A_128 = arith.constant 1 : i32
      %add3A_129 = arith.addi %mul3A_127, %add3A_128 : i32
      %dma_wait3A_130 = arith.constant 1 : i32
      %dma_wait3A_131 = arith.constant 0 : i32
      %dma_wait3A_132 = arith.constant 0 : i32
      %dma_wait3A_133 = tpu.memref_slice %arg7[%dma_wait3A_130, %dma_wait3A_131, %dma_wait3A_132] : memref<3x80x128xf32, #tpu.memory_space<vmem>> -> memref<1x80x128xf32, #tpu.memory_space<vmem>>
      %dma_wait3A_134 = tpu.memref_squeeze %dma_wait3A_133 : memref<1x80x128xf32, #tpu.memory_space<vmem>> -> memref<80x128xf32, #tpu.memory_space<vmem>>
      %dma_wait3A_135 = arith.constant 0 : i32
      %dma_wait3A_136 = tpu.memref_slice %arg3[%mul3A_2, %dma_wait3A_135] : memref<320000x128xf32, #tpu.memory_space<hbm>> -> memref<80x128xf32, #tpu.memory_space<hbm>>
      %dma_wait3A_137 = arith.constant 0 : i32
      %dma_wait3A_138 = arith.constant 0 : i32
      %dma_wait3A_139 = tpu.memref_slice %arg7[%dma_wait3A_130, %dma_wait3A_137, %dma_wait3A_138] : memref<3x80x128xf32, #tpu.memory_space<vmem>> -> memref<1x80x128xf32, #tpu.memory_space<vmem>>
      %dma_wait3A_140 = tpu.memref_squeeze %dma_wait3A_139 : memref<1x80x128xf32, #tpu.memory_space<vmem>> -> memref<80x128xf32, #tpu.memory_space<vmem>>
      %dma_wait3A_141 = arith.constant 0 : i32
      %dma_wait3A_142 = tpu.memref_slice %arg3[%mul3A_2, %dma_wait3A_141] : memref<320000x128xf32, #tpu.memory_space<hbm>> -> memref<80x128xf32, #tpu.memory_space<hbm>>
      tpu.wait_dma2 semaphore(%arg10 : memref<!tpu.dma_semaphore, #tpu.memory_space<semaphore_mem>>) src(%dma_wait3A_142 : memref<80x128xf32, #tpu.memory_space<hbm>>) dst(%dma_wait3A_140 : memref<80x128xf32, #tpu.memory_space<vmem>>)
      %run_scoped3A_143 = arith.constant 1 : i32
      "tpu.region"() ({
        %run_scoped3A_176 = tpu.sem_alloc : memref<!tpu.dma_semaphore, #tpu.memory_space<semaphore_mem>>
        %dma_start3A_177 = arith.constant 0 : i32
        %dma_start3A_178 = arith.constant 0 : i32
        %dma_start3A_179 = tpu.memref_slice %arg7[%run_scoped3A_143, %dma_start3A_177, %dma_start3A_178] : memref<3x80x128xf32, #tpu.memory_space<vmem>> -> memref<1x80x128xf32, #tpu.memory_space<vmem>>
        %dma_start3A_180 = tpu.memref_squeeze %dma_start3A_179 : memref<1x80x128xf32, #tpu.memory_space<vmem>> -> memref<80x128xf32, #tpu.memory_space<vmem>>
        %dma_start3A_181 = arith.constant 0 : i32
        %dma_start3A_182 = tpu.memref_slice %arg6[%add3A_129, %dma_start3A_181] : memref<125x80xi32, #tpu.memory_space<vmem>> -> memref<1x80xi32, #tpu.memory_space<vmem>>
        %dma_start3A_183 = tpu.memref_squeeze %dma_start3A_182 : memref<1x80xi32, #tpu.memory_space<vmem>> -> memref<80xi32, #tpu.memory_space<vmem>>
        %dma_start3A_184 = arith.constant 0 : i32
        %dma_start3A_185 = arith.constant 0 : i32
        %dma_start3A_186 = tpu.memref_slice %arg8[%dma_start3A_184, %dma_start3A_185] : memref<10112x128xf32, #tpu.memory_space<vmem_shared>> -> memref<10112x128xf32, #tpu.memory_space<vmem_shared>>
        tpu.enqueue_indirect_dma source(%dma_start3A_180 : memref<80x128xf32, #tpu.memory_space<vmem>>) target(%dma_start3A_186 : memref<10112x128xf32, #tpu.memory_space<vmem_shared>>) offsets(%dma_start3A_183 : memref<80xi32, #tpu.memory_space<vmem>>) semaphore(%run_scoped3A_176 : memref<!tpu.dma_semaphore, #tpu.memory_space<semaphore_mem>>) {add = true}
        %dma_wait3A_187 = arith.constant 0 : i32
        %dma_wait3A_188 = arith.constant 0 : i32
        %dma_wait3A_189 = tpu.memref_slice %arg7[%run_scoped3A_143, %dma_wait3A_187, %dma_wait3A_188] : memref<3x80x128xf32, #tpu.memory_space<vmem>> -> memref<1x80x128xf32, #tpu.memory_space<vmem>>
        %dma_wait3A_190 = tpu.memref_squeeze %dma_wait3A_189 : memref<1x80x128xf32, #tpu.memory_space<vmem>> -> memref<80x128xf32, #tpu.memory_space<vmem>>
        %dma_wait3A_191 = arith.constant 0 : i32
        %dma_wait3A_192 = tpu.memref_slice %arg6[%add3A_129, %dma_wait3A_191] : memref<125x80xi32, #tpu.memory_space<vmem>> -> memref<1x80xi32, #tpu.memory_space<vmem>>
        %dma_wait3A_193 = tpu.memref_squeeze %dma_wait3A_192 : memref<1x80xi32, #tpu.memory_space<vmem>> -> memref<80xi32, #tpu.memory_space<vmem>>
        %dma_wait3A_194 = arith.constant 0 : i32
        %dma_wait3A_195 = arith.constant 0 : i32
        %dma_wait3A_196 = tpu.memref_slice %arg8[%dma_wait3A_194, %dma_wait3A_195] : memref<10112x128xf32, #tpu.memory_space<vmem_shared>> -> memref<10112x128xf32, #tpu.memory_space<vmem_shared>>
        tpu.wait_indirect_dma semaphore(%run_scoped3A_176 : memref<!tpu.dma_semaphore, #tpu.memory_space<semaphore_mem>>) src(%dma_wait3A_190 : memref<80x128xf32, #tpu.memory_space<vmem>>) dst(%dma_wait3A_196 : memref<10112x128xf32, #tpu.memory_space<vmem_shared>>)
        tpu.yield
      }) : () -> ()
      %add3A_144 = arith.constant 3 : i32
      %add3A_145 = arith.addi %add3A_129, %add3A_144 : i32
      %lt3A_146 = arith.constant 125 : i32
      %lt3A_147 = arith.cmpi slt, %add3A_145, %lt3A_146 : i32
      %convert_element_type3A_148 = arith.extui %lt3A_147 : i1 to i32
      %cond3A_149 = arith.constant 0 : i32
      %cond3A_150 = arith.cmpi ne, %convert_element_type3A_148, %cond3A_149 : i32
      scf.if %cond3A_150 {
        %mul3A_176 = arith.constant 80 : i32
        %mul3A_177 = arith.muli %add3A_145, %mul3A_176 : i32
        %add3A_178 = arith.addi %mul3A_2, %mul3A_177 : i32
        %dma_start3A_179 = arith.constant 1 : i32
        %dma_start3A_180 = arith.constant 0 : i32
        %dma_start3A_181 = arith.constant 0 : i32
        %dma_start3A_182 = tpu.memref_slice %arg7[%dma_start3A_179, %dma_start3A_180, %dma_start3A_181] : memref<3x80x128xf32, #tpu.memory_space<vmem>> -> memref<1x80x128xf32, #tpu.memory_space<vmem>>
        %dma_start3A_183 = tpu.memref_squeeze %dma_start3A_182 : memref<1x80x128xf32, #tpu.memory_space<vmem>> -> memref<80x128xf32, #tpu.memory_space<vmem>>
        %dma_start3A_184 = arith.constant 0 : i32
        %dma_start3A_185 = tpu.memref_slice %arg3[%add3A_178, %dma_start3A_184] : memref<320000x128xf32, #tpu.memory_space<hbm>> -> memref<80x128xf32, #tpu.memory_space<hbm>>
        %dma_start3A_186 = arith.constant 0 : i32
        %dma_start3A_187 = arith.constant 0 : i32
        %dma_start3A_188 = tpu.memref_slice %arg7[%dma_start3A_179, %dma_start3A_186, %dma_start3A_187] : memref<3x80x128xf32, #tpu.memory_space<vmem>> -> memref<1x80x128xf32, #tpu.memory_space<vmem>>
        %dma_start3A_189 = tpu.memref_squeeze %dma_start3A_188 : memref<1x80x128xf32, #tpu.memory_space<vmem>> -> memref<80x128xf32, #tpu.memory_space<vmem>>
        %dma_start3A_190 = arith.constant 0 : i32
        %dma_start3A_191 = tpu.memref_slice %arg3[%add3A_178, %dma_start3A_190] : memref<320000x128xf32, #tpu.memory_space<hbm>> -> memref<80x128xf32, #tpu.memory_space<hbm>>
        tpu.enqueue_dma source(%dma_start3A_191 : memref<80x128xf32, #tpu.memory_space<hbm>>) target(%dma_start3A_189 : memref<80x128xf32, #tpu.memory_space<vmem>>) target_semaphore(%arg10 : memref<!tpu.dma_semaphore, #tpu.memory_space<semaphore_mem>>)
      } else {
      }
      %mul3A_151 = arith.constant 3 : i32
      %mul3A_152 = arith.muli %scan3A_100, %mul3A_151 : i32
      %add3A_153 = arith.constant 2 : i32
      %add3A_154 = arith.addi %mul3A_152, %add3A_153 : i32
      %dma_wait3A_155 = arith.constant 2 : i32
      %dma_wait3A_156 = arith.constant 0 : i32
      %dma_wait3A_157 = arith.constant 0 : i32
      %dma_wait3A_158 = tpu.memref_slice %arg7[%dma_wait3A_155, %dma_wait3A_156, %dma_wait3A_157] : memref<3x80x128xf32, #tpu.memory_space<vmem>> -> memref<1x80x128xf32, #tpu.memory_space<vmem>>
      %dma_wait3A_159 = tpu.memref_squeeze %dma_wait3A_158 : memref<1x80x128xf32, #tpu.memory_space<vmem>> -> memref<80x128xf32, #tpu.memory_space<vmem>>
      %dma_wait3A_160 = arith.constant 0 : i32
      %dma_wait3A_161 = tpu.memref_slice %arg3[%mul3A_2, %dma_wait3A_160] : memref<320000x128xf32, #tpu.memory_space<hbm>> -> memref<80x128xf32, #tpu.memory_space<hbm>>
      %dma_wait3A_162 = arith.constant 0 : i32
      %dma_wait3A_163 = arith.constant 0 : i32
      %dma_wait3A_164 = tpu.memref_slice %arg7[%dma_wait3A_155, %dma_wait3A_162, %dma_wait3A_163] : memref<3x80x128xf32, #tpu.memory_space<vmem>> -> memref<1x80x128xf32, #tpu.memory_space<vmem>>
      %dma_wait3A_165 = tpu.memref_squeeze %dma_wait3A_164 : memref<1x80x128xf32, #tpu.memory_space<vmem>> -> memref<80x128xf32, #tpu.memory_space<vmem>>
      %dma_wait3A_166 = arith.constant 0 : i32
      %dma_wait3A_167 = tpu.memref_slice %arg3[%mul3A_2, %dma_wait3A_166] : memref<320000x128xf32, #tpu.memory_space<hbm>> -> memref<80x128xf32, #tpu.memory_space<hbm>>
      tpu.wait_dma2 semaphore(%arg11 : memref<!tpu.dma_semaphore, #tpu.memory_space<semaphore_mem>>) src(%dma_wait3A_167 : memref<80x128xf32, #tpu.memory_space<hbm>>) dst(%dma_wait3A_165 : memref<80x128xf32, #tpu.memory_space<vmem>>)
      %run_scoped3A_168 = arith.constant 2 : i32
      "tpu.region"() ({
        %run_scoped3A_176 = tpu.sem_alloc : memref<!tpu.dma_semaphore, #tpu.memory_space<semaphore_mem>>
        %dma_start3A_177 = arith.constant 0 : i32
        %dma_start3A_178 = arith.constant 0 : i32
        %dma_start3A_179 = tpu.memref_slice %arg7[%run_scoped3A_168, %dma_start3A_177, %dma_start3A_178] : memref<3x80x128xf32, #tpu.memory_space<vmem>> -> memref<1x80x128xf32, #tpu.memory_space<vmem>>
        %dma_start3A_180 = tpu.memref_squeeze %dma_start3A_179 : memref<1x80x128xf32, #tpu.memory_space<vmem>> -> memref<80x128xf32, #tpu.memory_space<vmem>>
        %dma_start3A_181 = arith.constant 0 : i32
        %dma_start3A_182 = tpu.memref_slice %arg6[%add3A_154, %dma_start3A_181] : memref<125x80xi32, #tpu.memory_space<vmem>> -> memref<1x80xi32, #tpu.memory_space<vmem>>
        %dma_start3A_183 = tpu.memref_squeeze %dma_start3A_182 : memref<1x80xi32, #tpu.memory_space<vmem>> -> memref<80xi32, #tpu.memory_space<vmem>>
        %dma_start3A_184 = arith.constant 0 : i32
        %dma_start3A_185 = arith.constant 0 : i32
        %dma_start3A_186 = tpu.memref_slice %arg8[%dma_start3A_184, %dma_start3A_185] : memref<10112x128xf32, #tpu.memory_space<vmem_shared>> -> memref<10112x128xf32, #tpu.memory_space<vmem_shared>>
        tpu.enqueue_indirect_dma source(%dma_start3A_180 : memref<80x128xf32, #tpu.memory_space<vmem>>) target(%dma_start3A_186 : memref<10112x128xf32, #tpu.memory_space<vmem_shared>>) offsets(%dma_start3A_183 : memref<80xi32, #tpu.memory_space<vmem>>) semaphore(%run_scoped3A_176 : memref<!tpu.dma_semaphore, #tpu.memory_space<semaphore_mem>>) {add = true}
        %dma_wait3A_187 = arith.constant 0 : i32
        %dma_wait3A_188 = arith.constant 0 : i32
        %dma_wait3A_189 = tpu.memref_slice %arg7[%run_scoped3A_168, %dma_wait3A_187, %dma_wait3A_188] : memref<3x80x128xf32, #tpu.memory_space<vmem>> -> memref<1x80x128xf32, #tpu.memory_space<vmem>>
        %dma_wait3A_190 = tpu.memref_squeeze %dma_wait3A_189 : memref<1x80x128xf32, #tpu.memory_space<vmem>> -> memref<80x128xf32, #tpu.memory_space<vmem>>
        %dma_wait3A_191 = arith.constant 0 : i32
        %dma_wait3A_192 = tpu.memref_slice %arg6[%add3A_154, %dma_wait3A_191] : memref<125x80xi32, #tpu.memory_space<vmem>> -> memref<1x80xi32, #tpu.memory_space<vmem>>
        %dma_wait3A_193 = tpu.memref_squeeze %dma_wait3A_192 : memref<1x80xi32, #tpu.memory_space<vmem>> -> memref<80xi32, #tpu.memory_space<vmem>>
        %dma_wait3A_194 = arith.constant 0 : i32
        %dma_wait3A_195 = arith.constant 0 : i32
        %dma_wait3A_196 = tpu.memref_slice %arg8[%dma_wait3A_194, %dma_wait3A_195] : memref<10112x128xf32, #tpu.memory_space<vmem_shared>> -> memref<10112x128xf32, #tpu.memory_space<vmem_shared>>
        tpu.wait_indirect_dma semaphore(%run_scoped3A_176 : memref<!tpu.dma_semaphore, #tpu.memory_space<semaphore_mem>>) src(%dma_wait3A_190 : memref<80x128xf32, #tpu.memory_space<vmem>>) dst(%dma_wait3A_196 : memref<10112x128xf32, #tpu.memory_space<vmem_shared>>)
        tpu.yield
      }) : () -> ()
      %add3A_169 = arith.constant 3 : i32
      %add3A_170 = arith.addi %add3A_154, %add3A_169 : i32
      %lt3A_171 = arith.constant 125 : i32
      %lt3A_172 = arith.cmpi slt, %add3A_170, %lt3A_171 : i32
      %convert_element_type3A_173 = arith.extui %lt3A_172 : i1 to i32
      %cond3A_174 = arith.constant 0 : i32
      %cond3A_175 = arith.cmpi ne, %convert_element_type3A_173, %cond3A_174 : i32
      scf.if %cond3A_175 {
        %mul3A_176 = arith.constant 80 : i32
        %mul3A_177 = arith.muli %add3A_170, %mul3A_176 : i32
        %add3A_178 = arith.addi %mul3A_2, %mul3A_177 : i32
        %dma_start3A_179 = arith.constant 2 : i32
        %dma_start3A_180 = arith.constant 0 : i32
        %dma_start3A_181 = arith.constant 0 : i32
        %dma_start3A_182 = tpu.memref_slice %arg7[%dma_start3A_179, %dma_start3A_180, %dma_start3A_181] : memref<3x80x128xf32, #tpu.memory_space<vmem>> -> memref<1x80x128xf32, #tpu.memory_space<vmem>>
        %dma_start3A_183 = tpu.memref_squeeze %dma_start3A_182 : memref<1x80x128xf32, #tpu.memory_space<vmem>> -> memref<80x128xf32, #tpu.memory_space<vmem>>
        %dma_start3A_184 = arith.constant 0 : i32
        %dma_start3A_185 = tpu.memref_slice %arg3[%add3A_178, %dma_start3A_184] : memref<320000x128xf32, #tpu.memory_space<hbm>> -> memref<80x128xf32, #tpu.memory_space<hbm>>
        %dma_start3A_186 = arith.constant 0 : i32
        %dma_start3A_187 = arith.constant 0 : i32
        %dma_start3A_188 = tpu.memref_slice %arg7[%dma_start3A_179, %dma_start3A_186, %dma_start3A_187] : memref<3x80x128xf32, #tpu.memory_space<vmem>> -> memref<1x80x128xf32, #tpu.memory_space<vmem>>
        %dma_start3A_189 = tpu.memref_squeeze %dma_start3A_188 : memref<1x80x128xf32, #tpu.memory_space<vmem>> -> memref<80x128xf32, #tpu.memory_space<vmem>>
        %dma_start3A_190 = arith.constant 0 : i32
        %dma_start3A_191 = tpu.memref_slice %arg3[%add3A_178, %dma_start3A_190] : memref<320000x128xf32, #tpu.memory_space<hbm>> -> memref<80x128xf32, #tpu.memory_space<hbm>>
        tpu.enqueue_dma source(%dma_start3A_191 : memref<80x128xf32, #tpu.memory_space<hbm>>) target(%dma_start3A_189 : memref<80x128xf32, #tpu.memory_space<vmem>>) target_semaphore(%arg11 : memref<!tpu.dma_semaphore, #tpu.memory_space<semaphore_mem>>)
      } else {
      }
    }
    %scan3A_53 = arith.constant 41 : i32
    %dma_wait3A = arith.constant 0 : i32
    %dma_wait3A_54 = arith.constant 0 : i32
    %dma_wait3A_55 = arith.constant 0 : i32
    %dma_wait3A_56 = tpu.memref_slice %arg7[%dma_wait3A, %dma_wait3A_54, %dma_wait3A_55] : memref<3x80x128xf32, #tpu.memory_space<vmem>> -> memref<1x80x128xf32, #tpu.memory_space<vmem>>
    %dma_wait3A_57 = tpu.memref_squeeze %dma_wait3A_56 : memref<1x80x128xf32, #tpu.memory_space<vmem>> -> memref<80x128xf32, #tpu.memory_space<vmem>>
    %dma_wait3A_58 = arith.constant 0 : i32
    %dma_wait3A_59 = tpu.memref_slice %arg3[%mul3A_2, %dma_wait3A_58] : memref<320000x128xf32, #tpu.memory_space<hbm>> -> memref<80x128xf32, #tpu.memory_space<hbm>>
    %dma_wait3A_60 = arith.constant 0 : i32
    %dma_wait3A_61 = arith.constant 0 : i32
    %dma_wait3A_62 = tpu.memref_slice %arg7[%dma_wait3A, %dma_wait3A_60, %dma_wait3A_61] : memref<3x80x128xf32, #tpu.memory_space<vmem>> -> memref<1x80x128xf32, #tpu.memory_space<vmem>>
    %dma_wait3A_63 = tpu.memref_squeeze %dma_wait3A_62 : memref<1x80x128xf32, #tpu.memory_space<vmem>> -> memref<80x128xf32, #tpu.memory_space<vmem>>
    %dma_wait3A_64 = arith.constant 0 : i32
    %dma_wait3A_65 = tpu.memref_slice %arg3[%mul3A_2, %dma_wait3A_64] : memref<320000x128xf32, #tpu.memory_space<hbm>> -> memref<80x128xf32, #tpu.memory_space<hbm>>
    tpu.wait_dma2 semaphore(%arg9 : memref<!tpu.dma_semaphore, #tpu.memory_space<semaphore_mem>>) src(%dma_wait3A_65 : memref<80x128xf32, #tpu.memory_space<hbm>>) dst(%dma_wait3A_63 : memref<80x128xf32, #tpu.memory_space<vmem>>)
    %run_scoped3A = arith.constant 0 : i32
    %run_scoped3A_66 = arith.constant 123 : i32
    "tpu.region"() ({
      %run_scoped3A_100 = tpu.sem_alloc : memref<!tpu.dma_semaphore, #tpu.memory_space<semaphore_mem>>
      %dma_start3A_101 = arith.constant 0 : i32
      %dma_start3A_102 = arith.constant 0 : i32
      %dma_start3A_103 = tpu.memref_slice %arg7[%run_scoped3A, %dma_start3A_101, %dma_start3A_102] : memref<3x80x128xf32, #tpu.memory_space<vmem>> -> memref<1x80x128xf32, #tpu.memory_space<vmem>>
      %dma_start3A_104 = tpu.memref_squeeze %dma_start3A_103 : memref<1x80x128xf32, #tpu.memory_space<vmem>> -> memref<80x128xf32, #tpu.memory_space<vmem>>
      %dma_start3A_105 = arith.constant 0 : i32
      %dma_start3A_106 = tpu.memref_slice %arg6[%run_scoped3A_66, %dma_start3A_105] : memref<125x80xi32, #tpu.memory_space<vmem>> -> memref<1x80xi32, #tpu.memory_space<vmem>>
      %dma_start3A_107 = tpu.memref_squeeze %dma_start3A_106 : memref<1x80xi32, #tpu.memory_space<vmem>> -> memref<80xi32, #tpu.memory_space<vmem>>
      %dma_start3A_108 = arith.constant 0 : i32
      %dma_start3A_109 = arith.constant 0 : i32
      %dma_start3A_110 = tpu.memref_slice %arg8[%dma_start3A_108, %dma_start3A_109] : memref<10112x128xf32, #tpu.memory_space<vmem_shared>> -> memref<10112x128xf32, #tpu.memory_space<vmem_shared>>
      tpu.enqueue_indirect_dma source(%dma_start3A_104 : memref<80x128xf32, #tpu.memory_space<vmem>>) target(%dma_start3A_110 : memref<10112x128xf32, #tpu.memory_space<vmem_shared>>) offsets(%dma_start3A_107 : memref<80xi32, #tpu.memory_space<vmem>>) semaphore(%run_scoped3A_100 : memref<!tpu.dma_semaphore, #tpu.memory_space<semaphore_mem>>) {add = true}
      %dma_wait3A_111 = arith.constant 0 : i32
      %dma_wait3A_112 = arith.constant 0 : i32
      %dma_wait3A_113 = tpu.memref_slice %arg7[%run_scoped3A, %dma_wait3A_111, %dma_wait3A_112] : memref<3x80x128xf32, #tpu.memory_space<vmem>> -> memref<1x80x128xf32, #tpu.memory_space<vmem>>
      %dma_wait3A_114 = tpu.memref_squeeze %dma_wait3A_113 : memref<1x80x128xf32, #tpu.memory_space<vmem>> -> memref<80x128xf32, #tpu.memory_space<vmem>>
      %dma_wait3A_115 = arith.constant 0 : i32
      %dma_wait3A_116 = tpu.memref_slice %arg6[%run_scoped3A_66, %dma_wait3A_115] : memref<125x80xi32, #tpu.memory_space<vmem>> -> memref<1x80xi32, #tpu.memory_space<vmem>>
      %dma_wait3A_117 = tpu.memref_squeeze %dma_wait3A_116 : memref<1x80xi32, #tpu.memory_space<vmem>> -> memref<80xi32, #tpu.memory_space<vmem>>
      %dma_wait3A_118 = arith.constant 0 : i32
      %dma_wait3A_119 = arith.constant 0 : i32
      %dma_wait3A_120 = tpu.memref_slice %arg8[%dma_wait3A_118, %dma_wait3A_119] : memref<10112x128xf32, #tpu.memory_space<vmem_shared>> -> memref<10112x128xf32, #tpu.memory_space<vmem_shared>>
      tpu.wait_indirect_dma semaphore(%run_scoped3A_100 : memref<!tpu.dma_semaphore, #tpu.memory_space<semaphore_mem>>) src(%dma_wait3A_114 : memref<80x128xf32, #tpu.memory_space<vmem>>) dst(%dma_wait3A_120 : memref<10112x128xf32, #tpu.memory_space<vmem_shared>>)
      tpu.yield
    }) : () -> ()
    %add3A_67 = arith.constant 123 : i32
    %add3A_68 = arith.constant 3 : i32
    %add3A_69 = arith.addi %add3A_67, %add3A_68 : i32
    %lt3A = arith.constant 125 : i32
    %lt3A_70 = arith.cmpi slt, %add3A_69, %lt3A : i32
    %convert_element_type3A = arith.extui %lt3A_70 : i1 to i32
    %cond3A = arith.constant 0 : i32
    %cond3A_71 = arith.cmpi ne, %convert_element_type3A, %cond3A : i32
    scf.if %cond3A_71 {
      %mul3A_100 = arith.constant 80 : i32
      %mul3A_101 = arith.muli %add3A_69, %mul3A_100 : i32
      %add3A_102 = arith.addi %mul3A_2, %mul3A_101 : i32
      %dma_start3A_103 = arith.constant 0 : i32
      %dma_start3A_104 = arith.constant 0 : i32
      %dma_start3A_105 = arith.constant 0 : i32
      %dma_start3A_106 = tpu.memref_slice %arg7[%dma_start3A_103, %dma_start3A_104, %dma_start3A_105] : memref<3x80x128xf32, #tpu.memory_space<vmem>> -> memref<1x80x128xf32, #tpu.memory_space<vmem>>
      %dma_start3A_107 = tpu.memref_squeeze %dma_start3A_106 : memref<1x80x128xf32, #tpu.memory_space<vmem>> -> memref<80x128xf32, #tpu.memory_space<vmem>>
      %dma_start3A_108 = arith.constant 0 : i32
      %dma_start3A_109 = tpu.memref_slice %arg3[%add3A_102, %dma_start3A_108] : memref<320000x128xf32, #tpu.memory_space<hbm>> -> memref<80x128xf32, #tpu.memory_space<hbm>>
      %dma_start3A_110 = arith.constant 0 : i32
      %dma_start3A_111 = arith.constant 0 : i32
      %dma_start3A_112 = tpu.memref_slice %arg7[%dma_start3A_103, %dma_start3A_110, %dma_start3A_111] : memref<3x80x128xf32, #tpu.memory_space<vmem>> -> memref<1x80x128xf32, #tpu.memory_space<vmem>>
      %dma_start3A_113 = tpu.memref_squeeze %dma_start3A_112 : memref<1x80x128xf32, #tpu.memory_space<vmem>> -> memref<80x128xf32, #tpu.memory_space<vmem>>
      %dma_start3A_114 = arith.constant 0 : i32
      %dma_start3A_115 = tpu.memref_slice %arg3[%add3A_102, %dma_start3A_114] : memref<320000x128xf32, #tpu.memory_space<hbm>> -> memref<80x128xf32, #tpu.memory_space<hbm>>
      tpu.enqueue_dma source(%dma_start3A_115 : memref<80x128xf32, #tpu.memory_space<hbm>>) target(%dma_start3A_113 : memref<80x128xf32, #tpu.memory_space<vmem>>) target_semaphore(%arg9 : memref<!tpu.dma_semaphore, #tpu.memory_space<semaphore_mem>>)
    } else {
    }
    %dma_wait3A_72 = arith.constant 1 : i32
    %dma_wait3A_73 = arith.constant 0 : i32
    %dma_wait3A_74 = arith.constant 0 : i32
    %dma_wait3A_75 = tpu.memref_slice %arg7[%dma_wait3A_72, %dma_wait3A_73, %dma_wait3A_74] : memref<3x80x128xf32, #tpu.memory_space<vmem>> -> memref<1x80x128xf32, #tpu.memory_space<vmem>>
    %dma_wait3A_76 = tpu.memref_squeeze %dma_wait3A_75 : memref<1x80x128xf32, #tpu.memory_space<vmem>> -> memref<80x128xf32, #tpu.memory_space<vmem>>
    %dma_wait3A_77 = arith.constant 0 : i32
    %dma_wait3A_78 = tpu.memref_slice %arg3[%mul3A_2, %dma_wait3A_77] : memref<320000x128xf32, #tpu.memory_space<hbm>> -> memref<80x128xf32, #tpu.memory_space<hbm>>
    %dma_wait3A_79 = arith.constant 0 : i32
    %dma_wait3A_80 = arith.constant 0 : i32
    %dma_wait3A_81 = tpu.memref_slice %arg7[%dma_wait3A_72, %dma_wait3A_79, %dma_wait3A_80] : memref<3x80x128xf32, #tpu.memory_space<vmem>> -> memref<1x80x128xf32, #tpu.memory_space<vmem>>
    %dma_wait3A_82 = tpu.memref_squeeze %dma_wait3A_81 : memref<1x80x128xf32, #tpu.memory_space<vmem>> -> memref<80x128xf32, #tpu.memory_space<vmem>>
    %dma_wait3A_83 = arith.constant 0 : i32
    %dma_wait3A_84 = tpu.memref_slice %arg3[%mul3A_2, %dma_wait3A_83] : memref<320000x128xf32, #tpu.memory_space<hbm>> -> memref<80x128xf32, #tpu.memory_space<hbm>>
    tpu.wait_dma2 semaphore(%arg10 : memref<!tpu.dma_semaphore, #tpu.memory_space<semaphore_mem>>) src(%dma_wait3A_84 : memref<80x128xf32, #tpu.memory_space<hbm>>) dst(%dma_wait3A_82 : memref<80x128xf32, #tpu.memory_space<vmem>>)
    %run_scoped3A_85 = arith.constant 1 : i32
    %run_scoped3A_86 = arith.constant 124 : i32
    "tpu.region"() ({
      %run_scoped3A_100 = tpu.sem_alloc : memref<!tpu.dma_semaphore, #tpu.memory_space<semaphore_mem>>
      %dma_start3A_101 = arith.constant 0 : i32
      %dma_start3A_102 = arith.constant 0 : i32
      %dma_start3A_103 = tpu.memref_slice %arg7[%run_scoped3A_85, %dma_start3A_101, %dma_start3A_102] : memref<3x80x128xf32, #tpu.memory_space<vmem>> -> memref<1x80x128xf32, #tpu.memory_space<vmem>>
      %dma_start3A_104 = tpu.memref_squeeze %dma_start3A_103 : memref<1x80x128xf32, #tpu.memory_space<vmem>> -> memref<80x128xf32, #tpu.memory_space<vmem>>
      %dma_start3A_105 = arith.constant 0 : i32
      %dma_start3A_106 = tpu.memref_slice %arg6[%run_scoped3A_86, %dma_start3A_105] : memref<125x80xi32, #tpu.memory_space<vmem>> -> memref<1x80xi32, #tpu.memory_space<vmem>>
      %dma_start3A_107 = tpu.memref_squeeze %dma_start3A_106 : memref<1x80xi32, #tpu.memory_space<vmem>> -> memref<80xi32, #tpu.memory_space<vmem>>
      %dma_start3A_108 = arith.constant 0 : i32
      %dma_start3A_109 = arith.constant 0 : i32
      %dma_start3A_110 = tpu.memref_slice %arg8[%dma_start3A_108, %dma_start3A_109] : memref<10112x128xf32, #tpu.memory_space<vmem_shared>> -> memref<10112x128xf32, #tpu.memory_space<vmem_shared>>
      tpu.enqueue_indirect_dma source(%dma_start3A_104 : memref<80x128xf32, #tpu.memory_space<vmem>>) target(%dma_start3A_110 : memref<10112x128xf32, #tpu.memory_space<vmem_shared>>) offsets(%dma_start3A_107 : memref<80xi32, #tpu.memory_space<vmem>>) semaphore(%run_scoped3A_100 : memref<!tpu.dma_semaphore, #tpu.memory_space<semaphore_mem>>) {add = true}
      %dma_wait3A_111 = arith.constant 0 : i32
      %dma_wait3A_112 = arith.constant 0 : i32
      %dma_wait3A_113 = tpu.memref_slice %arg7[%run_scoped3A_85, %dma_wait3A_111, %dma_wait3A_112] : memref<3x80x128xf32, #tpu.memory_space<vmem>> -> memref<1x80x128xf32, #tpu.memory_space<vmem>>
      %dma_wait3A_114 = tpu.memref_squeeze %dma_wait3A_113 : memref<1x80x128xf32, #tpu.memory_space<vmem>> -> memref<80x128xf32, #tpu.memory_space<vmem>>
      %dma_wait3A_115 = arith.constant 0 : i32
      %dma_wait3A_116 = tpu.memref_slice %arg6[%run_scoped3A_86, %dma_wait3A_115] : memref<125x80xi32, #tpu.memory_space<vmem>> -> memref<1x80xi32, #tpu.memory_space<vmem>>
      %dma_wait3A_117 = tpu.memref_squeeze %dma_wait3A_116 : memref<1x80xi32, #tpu.memory_space<vmem>> -> memref<80xi32, #tpu.memory_space<vmem>>
      %dma_wait3A_118 = arith.constant 0 : i32
      %dma_wait3A_119 = arith.constant 0 : i32
      %dma_wait3A_120 = tpu.memref_slice %arg8[%dma_wait3A_118, %dma_wait3A_119] : memref<10112x128xf32, #tpu.memory_space<vmem_shared>> -> memref<10112x128xf32, #tpu.memory_space<vmem_shared>>
      tpu.wait_indirect_dma semaphore(%run_scoped3A_100 : memref<!tpu.dma_semaphore, #tpu.memory_space<semaphore_mem>>) src(%dma_wait3A_114 : memref<80x128xf32, #tpu.memory_space<vmem>>) dst(%dma_wait3A_120 : memref<10112x128xf32, #tpu.memory_space<vmem_shared>>)
      tpu.yield
    }) : () -> ()
    %add3A_87 = arith.constant 124 : i32
    %add3A_88 = arith.constant 3 : i32
    %add3A_89 = arith.addi %add3A_87, %add3A_88 : i32
    %lt3A_90 = arith.constant 125 : i32
    %lt3A_91 = arith.cmpi slt, %add3A_89, %lt3A_90 : i32
    %convert_element_type3A_92 = arith.extui %lt3A_91 : i1 to i32
    %cond3A_93 = arith.constant 0 : i32
    %cond3A_94 = arith.cmpi ne, %convert_element_type3A_92, %cond3A_93 : i32
    scf.if %cond3A_94 {
      %mul3A_100 = arith.constant 80 : i32
      %mul3A_101 = arith.muli %add3A_89, %mul3A_100 : i32
      %add3A_102 = arith.addi %mul3A_2, %mul3A_101 : i32
      %dma_start3A_103 = arith.constant 1 : i32
      %dma_start3A_104 = arith.constant 0 : i32
      %dma_start3A_105 = arith.constant 0 : i32
      %dma_start3A_106 = tpu.memref_slice %arg7[%dma_start3A_103, %dma_start3A_104, %dma_start3A_105] : memref<3x80x128xf32, #tpu.memory_space<vmem>> -> memref<1x80x128xf32, #tpu.memory_space<vmem>>
      %dma_start3A_107 = tpu.memref_squeeze %dma_start3A_106 : memref<1x80x128xf32, #tpu.memory_space<vmem>> -> memref<80x128xf32, #tpu.memory_space<vmem>>
      %dma_start3A_108 = arith.constant 0 : i32
      %dma_start3A_109 = tpu.memref_slice %arg3[%add3A_102, %dma_start3A_108] : memref<320000x128xf32, #tpu.memory_space<hbm>> -> memref<80x128xf32, #tpu.memory_space<hbm>>
      %dma_start3A_110 = arith.constant 0 : i32
      %dma_start3A_111 = arith.constant 0 : i32
      %dma_start3A_112 = tpu.memref_slice %arg7[%dma_start3A_103, %dma_start3A_110, %dma_start3A_111] : memref<3x80x128xf32, #tpu.memory_space<vmem>> -> memref<1x80x128xf32, #tpu.memory_space<vmem>>
      %dma_start3A_113 = tpu.memref_squeeze %dma_start3A_112 : memref<1x80x128xf32, #tpu.memory_space<vmem>> -> memref<80x128xf32, #tpu.memory_space<vmem>>
      %dma_start3A_114 = arith.constant 0 : i32
      %dma_start3A_115 = tpu.memref_slice %arg3[%add3A_102, %dma_start3A_114] : memref<320000x128xf32, #tpu.memory_space<hbm>> -> memref<80x128xf32, #tpu.memory_space<hbm>>
      tpu.enqueue_dma source(%dma_start3A_115 : memref<80x128xf32, #tpu.memory_space<hbm>>) target(%dma_start3A_113 : memref<80x128xf32, #tpu.memory_space<vmem>>) target_semaphore(%arg10 : memref<!tpu.dma_semaphore, #tpu.memory_space<semaphore_mem>>)
    } else {
    }
    %barrier3A_95 = arith.constant 0 : index
    tpu.barrier barrier_id(%barrier3A_95)
    %mul3A_96 = arith.constant 632 : i32
    %mul3A_97 = arith.muli %arg1, %mul3A_96 : i32
    %mul3A_98 = arith.constant 632 : i32
    %mul3A_99 = arith.muli %arg1, %mul3A_98 : i32
    "tpu.region"() ({
      %run_scoped3A_100 = tpu.sem_alloc : memref<!tpu.dma_semaphore, #tpu.memory_space<semaphore_mem>>
      %dma_start3A_101 = arith.constant 0 : i32
      %dma_start3A_102 = arith.constant 0 : i32
      %dma_start3A_103 = tpu.memref_slice %arg5[%arg0, %dma_start3A_101, %dma_start3A_102] : memref<2x10112x128xf32, #tpu.memory_space<hbm>> -> memref<1x10112x128xf32, #tpu.memory_space<hbm>>
      %dma_start3A_104 = tpu.memref_squeeze %dma_start3A_103 : memref<1x10112x128xf32, #tpu.memory_space<hbm>> -> memref<10112x128xf32, #tpu.memory_space<hbm>>
      %dma_start3A_105 = arith.constant 0 : i32
      %dma_start3A_106 = tpu.memref_slice %dma_start3A_104[%mul3A_99, %dma_start3A_105] : memref<10112x128xf32, #tpu.memory_space<hbm>> -> memref<632x128xf32, #tpu.memory_space<hbm>>
      %dma_start3A_107 = arith.constant 0 : i32
      %dma_start3A_108 = tpu.memref_slice %arg8[%mul3A_97, %dma_start3A_107] : memref<10112x128xf32, #tpu.memory_space<vmem_shared>> -> memref<632x128xf32, #tpu.memory_space<vmem_shared>>
      tpu.enqueue_dma source(%dma_start3A_108 : memref<632x128xf32, #tpu.memory_space<vmem_shared>>) target(%dma_start3A_106 : memref<632x128xf32, #tpu.memory_space<hbm>>) target_semaphore(%run_scoped3A_100 : memref<!tpu.dma_semaphore, #tpu.memory_space<semaphore_mem>>)
      %dma_wait3A_109 = arith.constant 0 : i32
      %dma_wait3A_110 = arith.constant 0 : i32
      %dma_wait3A_111 = tpu.memref_slice %arg5[%arg0, %dma_wait3A_109, %dma_wait3A_110] : memref<2x10112x128xf32, #tpu.memory_space<hbm>> -> memref<1x10112x128xf32, #tpu.memory_space<hbm>>
      %dma_wait3A_112 = tpu.memref_squeeze %dma_wait3A_111 : memref<1x10112x128xf32, #tpu.memory_space<hbm>> -> memref<10112x128xf32, #tpu.memory_space<hbm>>
      %dma_wait3A_113 = arith.constant 0 : i32
      %dma_wait3A_114 = tpu.memref_slice %dma_wait3A_112[%mul3A_99, %dma_wait3A_113] : memref<10112x128xf32, #tpu.memory_space<hbm>> -> memref<632x128xf32, #tpu.memory_space<hbm>>
      %dma_wait3A_115 = arith.constant 0 : i32
      %dma_wait3A_116 = tpu.memref_slice %arg8[%mul3A_97, %dma_wait3A_115] : memref<10112x128xf32, #tpu.memory_space<vmem_shared>> -> memref<632x128xf32, #tpu.memory_space<vmem_shared>>
      tpu.wait_dma2 semaphore(%run_scoped3A_100 : memref<!tpu.dma_semaphore, #tpu.memory_space<semaphore_mem>>) src(%dma_wait3A_116 : memref<632x128xf32, #tpu.memory_space<vmem_shared>>) dst(%dma_wait3A_114 : memref<632x128xf32, #tpu.memory_space<hbm>>)
      tpu.yield
    }) : () -> ()
    return
  }
}

module attributes {stable_mosaic.version = 14 : i64} {
  func.func @_mlp_a_body(%arg0: i32, %arg1: memref<1000x512xf32, #tpu.memory_space<vmem>>, %arg2: memref<1000x16xf32, #tpu.memory_space<vmem>>, %arg3: memref<16x128xf32, #tpu.memory_space<vmem>>, %arg4: memref<512x1024xf32, #tpu.memory_space<vmem>>, %arg5: memref<128x1024xf32, #tpu.memory_space<vmem>>, %arg6: memref<1x1024xf32, #tpu.memory_space<vmem>>, %arg7: memref<1000x1024xbf16, #tpu.memory_space<vmem>>) attributes {dimension_semantics = [#tpu.dimension_semantics<arbitrary>], iteration_bounds = array<i64: 10>, scalar_prefetch = 0 : i64, scratch_operands = 0 : i64, tpu.core_type = #tpu.core_type<tc>, window_params = [{transform_indices = @transform_0, window_bounds = array<i64: 1000, 512>}, {transform_indices = @transform_1, window_bounds = array<i64: 1000, 16>}, {pipeline_mode = #tpu.pipeline_mode<synchronous>, transform_indices = @transform_2, window_bounds = array<i64: 16, 128>}, {pipeline_mode = #tpu.pipeline_mode<synchronous>, transform_indices = @transform_3, window_bounds = array<i64: 512, 1024>}, {pipeline_mode = #tpu.pipeline_mode<synchronous>, transform_indices = @transform_4, window_bounds = array<i64: 128, 1024>}, {pipeline_mode = #tpu.pipeline_mode<synchronous>, transform_indices = @transform_5, window_bounds = array<i64: 1, 1024>}, {transform_indices = @transform_6, window_bounds = array<i64: 1000, 1024>}]} {
    %get3A = arith.constant 0 : index
    %get3A_0 = arith.constant 0 : index
    %get3A_1 = vector.load %arg3[%get3A, %get3A_0] : memref<16x128xf32, #tpu.memory_space<vmem>>, vector<16x128xf32>
    %get3A_2 = arith.constant 0 : index
    %get3A_3 = arith.constant 0 : index
    %get3A_4 = vector.load %arg5[%get3A_2, %get3A_3] : memref<128x1024xf32, #tpu.memory_space<vmem>>, vector<128x1024xf32>
    %dot_general3A = arith.constant dense<0.000000e+00> : vector<16x1024xf32>
    %dot_general3A_5 = tpu.matmul %get3A_1, %get3A_4, %dot_general3A {dimension_numbers = #tpu.dot_dimension_numbers<[1], [0], [0], [1], [0, 0, 1, 1], [], []>, transpose_lhs_hint = false} : vector<16x128xf32>, vector<128x1024xf32>, vector<16x1024xf32> -> vector<16x1024xf32>
    %get3A_6 = arith.constant 0 : index
    %get3A_7 = arith.constant 0 : index
    %get3A_8 = vector.load %arg1[%get3A_6, %get3A_7] : memref<1000x512xf32, #tpu.memory_space<vmem>>, vector<1000x512xf32>
    %get3A_9 = arith.constant 0 : index
    %get3A_10 = arith.constant 0 : index
    %get3A_11 = vector.load %arg4[%get3A_9, %get3A_10] : memref<512x1024xf32, #tpu.memory_space<vmem>>, vector<512x1024xf32>
    %dot_general3A_12 = arith.constant dense<0.000000e+00> : vector<1000x1024xf32>
    %dot_general3A_13 = tpu.matmul %get3A_8, %get3A_11, %dot_general3A_12 {dimension_numbers = #tpu.dot_dimension_numbers<[1], [0], [0], [1], [0, 0, 1, 1], [], []>, transpose_lhs_hint = false} : vector<1000x512xf32>, vector<512x1024xf32>, vector<1000x1024xf32> -> vector<1000x1024xf32>
    %get3A_14 = arith.constant 0 : index
    %get3A_15 = arith.constant 0 : index
    %get3A_16 = vector.load %arg2[%get3A_14, %get3A_15] : memref<1000x16xf32, #tpu.memory_space<vmem>>, vector<1000x16xf32>
    %dot_general3A_17 = arith.constant dense<0.000000e+00> : vector<1000x1024xf32>
    %dot_general3A_18 = tpu.matmul %get3A_16, %dot_general3A_5, %dot_general3A_17 {dimension_numbers = #tpu.dot_dimension_numbers<[1], [0], [0], [1], [0, 0, 1, 1], [], []>, transpose_lhs_hint = false} : vector<1000x16xf32>, vector<16x1024xf32>, vector<1000x1024xf32> -> vector<1000x1024xf32>
    %add3A = arith.addf %dot_general3A_13, %dot_general3A_18 : vector<1000x1024xf32>
    %get3A_19 = arith.constant 0 : index
    %get3A_20 = arith.constant 0 : index
    %get3A_21 = vector.load %arg6[%get3A_19, %get3A_20] : memref<1x1024xf32, #tpu.memory_space<vmem>>, vector<1x1024xf32>
    %add3A_22 = vector.broadcast %get3A_21 : vector<1x1024xf32> to vector<1000x1024xf32>
    %add3A_23 = arith.addf %add3A, %add3A_22 : vector<1000x1024xf32>
    %convert_element_type3A = arith.truncf %add3A_23 : vector<1000x1024xf32> to vector<1000x1024xbf16>
    %swap3A = arith.constant 0 : index
    %swap3A_24 = arith.constant 0 : index
    %swap3A_25 = vector.load %arg7[%swap3A, %swap3A_24] : memref<1000x1024xbf16, #tpu.memory_space<vmem>>, vector<1000x1024xbf16>
    tpu.vector_store %arg7[%swap3A, %swap3A_24], %convert_element_type3A {strides = array<i32>} : memref<1000x1024xbf16, #tpu.memory_space<vmem>>, vector<1000x1024xbf16>,
    return
  }
  func.func @transform_0(%arg0: i32) -> (i32, i32) {
    %c0_i32 = arith.constant 0 : i32
    %c0_i32_0 = arith.constant 0 : i32
    return %arg0, %c0_i32 : i32, i32
  }
  func.func @transform_1(%arg0: i32) -> (i32, i32) {
    %c0_i32 = arith.constant 0 : i32
    %c0_i32_0 = arith.constant 0 : i32
    return %arg0, %c0_i32 : i32, i32
  }
  func.func @transform_2(%arg0: i32) -> (i32, i32) {
    %c0_i32 = arith.constant 0 : i32
    %c0_i32_0 = arith.constant 0 : i32
    %c0_i32_1 = arith.constant 0 : i32
    return %c0_i32, %c0_i32_0 : i32, i32
  }
  func.func @transform_3(%arg0: i32) -> (i32, i32) {
    %c0_i32 = arith.constant 0 : i32
    %c0_i32_0 = arith.constant 0 : i32
    %c0_i32_1 = arith.constant 0 : i32
    return %c0_i32, %c0_i32_0 : i32, i32
  }
  func.func @transform_4(%arg0: i32) -> (i32, i32) {
    %c0_i32 = arith.constant 0 : i32
    %c0_i32_0 = arith.constant 0 : i32
    %c0_i32_1 = arith.constant 0 : i32
    return %c0_i32, %c0_i32_0 : i32, i32
  }
  func.func @transform_5(%arg0: i32) -> (i32, i32) {
    %c0_i32 = arith.constant 0 : i32
    %c0_i32_0 = arith.constant 0 : i32
    %c0_i32_1 = arith.constant 0 : i32
    return %c0_i32, %c0_i32_0 : i32, i32
  }
  func.func @transform_6(%arg0: i32) -> (i32, i32) {
    %c0_i32 = arith.constant 0 : i32
    %c0_i32_0 = arith.constant 0 : i32
    return %arg0, %c0_i32 : i32, i32
  }
}

module attributes {stable_mosaic.version = 14 : i64} {
  func.func @_mlp_body(%arg0: i32, %arg1: memref<1000x1024xbf16, #tpu.memory_space<vmem>>, %arg2: memref<2x1000x128xf32, #tpu.memory_space<vmem>>, %arg3: memref<128x1024xf32, #tpu.memory_space<vmem>>, %arg4: memref<1x1024xf32, #tpu.memory_space<vmem>>, %arg5: memref<1x1024xf32, #tpu.memory_space<vmem>>, %arg6: memref<1024x1024xf32, #tpu.memory_space<vmem>>, %arg7: memref<1x1024xf32, #tpu.memory_space<vmem>>, %arg8: memref<1x1024xf32, #tpu.memory_space<vmem>>, %arg9: memref<1x1024xf32, #tpu.memory_space<vmem>>, %arg10: memref<1024x1024xf32, #tpu.memory_space<vmem>>, %arg11: memref<1x1024xf32, #tpu.memory_space<vmem>>, %arg12: memref<1x1024xf32, #tpu.memory_space<vmem>>, %arg13: memref<1x1024xf32, #tpu.memory_space<vmem>>, %arg14: memref<1024x512xf32, #tpu.memory_space<vmem>>, %arg15: memref<1x512xf32, #tpu.memory_space<vmem>>, %arg16: memref<1000x512xf32, #tpu.memory_space<vmem>>) attributes {dimension_semantics = [#tpu.dimension_semantics<arbitrary>], iteration_bounds = array<i64: 10>, scalar_prefetch = 0 : i64, scratch_operands = 0 : i64, tpu.core_type = #tpu.core_type<tc>, window_params = [{transform_indices = @transform_0, window_bounds = array<i64: 1000, 1024>}, {transform_indices = @transform_1, window_bounds = array<i64: 2, 1000, 128>}, {pipeline_mode = #tpu.pipeline_mode<synchronous>, transform_indices = @transform_2, window_bounds = array<i64: 128, 1024>}, {pipeline_mode = #tpu.pipeline_mode<synchronous>, transform_indices = @transform_3, window_bounds = array<i64: 1, 1024>}, {pipeline_mode = #tpu.pipeline_mode<synchronous>, transform_indices = @transform_4, window_bounds = array<i64: 1, 1024>}, {pipeline_mode = #tpu.pipeline_mode<synchronous>, transform_indices = @transform_5, window_bounds = array<i64: 1024, 1024>}, {pipeline_mode = #tpu.pipeline_mode<synchronous>, transform_indices = @transform_6, window_bounds = array<i64: 1, 1024>}, {pipeline_mode = #tpu.pipeline_mode<synchronous>, transform_indices = @transform_7, window_bounds = array<i64: 1, 1024>}, {pipeline_mode = #tpu.pipeline_mode<synchronous>, transform_indices = @transform_8, window_bounds = array<i64: 1, 1024>}, {pipeline_mode = #tpu.pipeline_mode<synchronous>, transform_indices = @transform_9, window_bounds = array<i64: 1024, 1024>}, {pipeline_mode = #tpu.pipeline_mode<synchronous>, transform_indices = @transform_10, window_bounds = array<i64: 1, 1024>}, {pipeline_mode = #tpu.pipeline_mode<synchronous>, transform_indices = @transform_11, window_bounds = array<i64: 1, 1024>}, {pipeline_mode = #tpu.pipeline_mode<synchronous>, transform_indices = @transform_12, window_bounds = array<i64: 1, 1024>}, {pipeline_mode = #tpu.pipeline_mode<synchronous>, transform_indices = @transform_13, window_bounds = array<i64: 1024, 512>}, {pipeline_mode = #tpu.pipeline_mode<synchronous>, transform_indices = @transform_14, window_bounds = array<i64: 1, 512>}, {transform_indices = @transform_15, window_bounds = array<i64: 1000, 512>}]} {
    %get3A = arith.constant 0 : index
    %get3A_0 = arith.constant 0 : index
    %get3A_1 = arith.constant 0 : index
    %get3A_2 = vector.load %arg2[%get3A, %get3A_0, %get3A_1] : memref<2x1000x128xf32, #tpu.memory_space<vmem>>, vector<1x1000x128xf32>
    %get3A_3 = vector.shape_cast %get3A_2 : vector<1x1000x128xf32> to vector<1000x128xf32>
    %get3A_4 = arith.constant 1 : index
    %get3A_5 = arith.constant 0 : index
    %get3A_6 = arith.constant 0 : index
    %get3A_7 = vector.load %arg2[%get3A_4, %get3A_5, %get3A_6] : memref<2x1000x128xf32, #tpu.memory_space<vmem>>, vector<1x1000x128xf32>
    %get3A_8 = vector.shape_cast %get3A_7 : vector<1x1000x128xf32> to vector<1000x128xf32>
    %add3A = arith.addf %get3A_3, %get3A_8 : vector<1000x128xf32>
    %get3A_9 = arith.constant 0 : index
    %get3A_10 = arith.constant 0 : index
    %get3A_11 = vector.load %arg1[%get3A_9, %get3A_10] : memref<1000x1024xbf16, #tpu.memory_space<vmem>>, vector<1000x1024xbf16>
    %convert_element_type3A = arith.extf %get3A_11 : vector<1000x1024xbf16> to vector<1000x1024xf32>
    %get3A_12 = arith.constant 0 : index
    %get3A_13 = arith.constant 0 : index
    %get3A_14 = vector.load %arg3[%get3A_12, %get3A_13] : memref<128x1024xf32, #tpu.memory_space<vmem>>, vector<128x1024xf32>
    %dot_general3A = arith.constant dense<0.000000e+00> : vector<1000x1024xf32>
    %dot_general3A_15 = tpu.matmul %add3A, %get3A_14, %dot_general3A {dimension_numbers = #tpu.dot_dimension_numbers<[1], [0], [0], [1], [0, 0, 1, 1], [], []>, transpose_lhs_hint = false} : vector<1000x128xf32>, vector<128x1024xf32>, vector<1000x1024xf32> -> vector<1000x1024xf32>
    %add3A_16 = arith.addf %convert_element_type3A, %dot_general3A_15 : vector<1000x1024xf32>
    %get3A_17 = arith.constant 0 : index
    %get3A_18 = arith.constant 0 : index
    %get3A_19 = vector.load %arg4[%get3A_17, %get3A_18] : memref<1x1024xf32, #tpu.memory_space<vmem>>, vector<1x1024xf32>
    %get3A_20 = arith.constant 0 : index
    %get3A_21 = arith.constant 0 : index
    %get3A_22 = vector.load %arg5[%get3A_20, %get3A_21] : memref<1x1024xf32, #tpu.memory_space<vmem>>, vector<1x1024xf32>
    %reduce_sum3A = arith.constant dense<0.000000e+00> : vector<1000xf32>
    %reduce_sum3A_23 = vector.multi_reduction <add>, %add3A_16, %reduce_sum3A [1] : vector<1000x1024xf32> to vector<1000xf32>
    %broadcast_in_dim3A = vector.shape_cast %reduce_sum3A_23 : vector<1000xf32> to vector<1000x1xf32>
    %div3A = arith.constant 1.024000e+03 : f32
    %div3A_24 = vector.broadcast %div3A : f32 to vector<1000x1xf32>
    %div3A_25 = arith.divf %broadcast_in_dim3A, %div3A_24 : vector<1000x1xf32>
    %sub3A = vector.broadcast %div3A_25 : vector<1000x1xf32> to vector<1000x1024xf32>
    %sub3A_26 = arith.subf %add3A_16, %sub3A : vector<1000x1024xf32>
    %integer_pow3A = arith.mulf %sub3A_26, %sub3A_26 : vector<1000x1024xf32>
    %reduce_sum3A_27 = arith.constant dense<0.000000e+00> : vector<1000xf32>
    %reduce_sum3A_28 = vector.multi_reduction <add>, %integer_pow3A, %reduce_sum3A_27 [1] : vector<1000x1024xf32> to vector<1000xf32>
    %broadcast_in_dim3A_29 = vector.shape_cast %reduce_sum3A_28 : vector<1000xf32> to vector<1000x1xf32>
    %div3A_30 = arith.constant 1.024000e+03 : f32
    %div3A_31 = vector.broadcast %div3A_30 : f32 to vector<1000x1xf32>
    %div3A_32 = arith.divf %broadcast_in_dim3A_29, %div3A_31 : vector<1000x1xf32>
    %sub3A_33 = vector.broadcast %div3A_25 : vector<1000x1xf32> to vector<1000x1024xf32>
    %sub3A_34 = arith.subf %add3A_16, %sub3A_33 : vector<1000x1024xf32>
    %add3A_35 = arith.constant 9.99999974E-6 : f32
    %add3A_36 = vector.broadcast %add3A_35 : f32 to vector<1000x1xf32>
    %add3A_37 = arith.addf %div3A_32, %add3A_36 : vector<1000x1xf32>
    %rsqrt3A = math.rsqrt %add3A_37 : vector<1000x1xf32>
    %mul3A = vector.broadcast %rsqrt3A : vector<1000x1xf32> to vector<1000x1024xf32>
    %mul3A_38 = arith.mulf %sub3A_34, %mul3A : vector<1000x1024xf32>
    %mul3A_39 = vector.broadcast %get3A_19 : vector<1x1024xf32> to vector<1000x1024xf32>
    %mul3A_40 = arith.mulf %mul3A_38, %mul3A_39 : vector<1000x1024xf32>
    %add3A_41 = vector.broadcast %get3A_22 : vector<1x1024xf32> to vector<1000x1024xf32>
    %add3A_42 = arith.addf %mul3A_40, %add3A_41 : vector<1000x1024xf32>
    %mul3A_43 = arith.constant 0.707106769 : f32
    %mul3A_44 = vector.broadcast %mul3A_43 : f32 to vector<1000x1024xf32>
    %mul3A_45 = arith.mulf %add3A_42, %mul3A_44 : vector<1000x1024xf32>
    %erf3A = math.erf %add3A_42 : vector<1000x1024xf32>
    %mul3A_46 = arith.mulf %mul3A_45, %erf3A : vector<1000x1024xf32>
    %add3A_47 = arith.addf %mul3A_45, %mul3A_46 : vector<1000x1024xf32>
    %get3A_48 = arith.constant 0 : index
    %get3A_49 = arith.constant 0 : index
    %get3A_50 = vector.load %arg6[%get3A_48, %get3A_49] : memref<1024x1024xf32, #tpu.memory_space<vmem>>, vector<1024x1024xf32>
    %dot_general3A_51 = arith.constant dense<0.000000e+00> : vector<1000x1024xf32>
    %dot_general3A_52 = tpu.matmul %add3A_47, %get3A_50, %dot_general3A_51 {dimension_numbers = #tpu.dot_dimension_numbers<[1], [0], [0], [1], [0, 0, 1, 1], [], []>, transpose_lhs_hint = false} : vector<1000x1024xf32>, vector<1024x1024xf32>, vector<1000x1024xf32> -> vector<1000x1024xf32>
    %get3A_53 = arith.constant 0 : index
    %get3A_54 = arith.constant 0 : index
    %get3A_55 = vector.load %arg7[%get3A_53, %get3A_54] : memref<1x1024xf32, #tpu.memory_space<vmem>>, vector<1x1024xf32>
    %add3A_56 = vector.broadcast %get3A_55 : vector<1x1024xf32> to vector<1000x1024xf32>
    %add3A_57 = arith.addf %dot_general3A_52, %add3A_56 : vector<1000x1024xf32>
    %get3A_58 = arith.constant 0 : index
    %get3A_59 = arith.constant 0 : index
    %get3A_60 = vector.load %arg8[%get3A_58, %get3A_59] : memref<1x1024xf32, #tpu.memory_space<vmem>>, vector<1x1024xf32>
    %get3A_61 = arith.constant 0 : index
    %get3A_62 = arith.constant 0 : index
    %get3A_63 = vector.load %arg9[%get3A_61, %get3A_62] : memref<1x1024xf32, #tpu.memory_space<vmem>>, vector<1x1024xf32>
    %reduce_sum3A_64 = arith.constant dense<0.000000e+00> : vector<1000xf32>
    %reduce_sum3A_65 = vector.multi_reduction <add>, %add3A_57, %reduce_sum3A_64 [1] : vector<1000x1024xf32> to vector<1000xf32>
    %broadcast_in_dim3A_66 = vector.shape_cast %reduce_sum3A_65 : vector<1000xf32> to vector<1000x1xf32>
    %div3A_67 = arith.constant 1.024000e+03 : f32
    %div3A_68 = vector.broadcast %div3A_67 : f32 to vector<1000x1xf32>
    %div3A_69 = arith.divf %broadcast_in_dim3A_66, %div3A_68 : vector<1000x1xf32>
    %sub3A_70 = vector.broadcast %div3A_69 : vector<1000x1xf32> to vector<1000x1024xf32>
    %sub3A_71 = arith.subf %add3A_57, %sub3A_70 : vector<1000x1024xf32>
    %integer_pow3A_72 = arith.mulf %sub3A_71, %sub3A_71 : vector<1000x1024xf32>
    %reduce_sum3A_73 = arith.constant dense<0.000000e+00> : vector<1000xf32>
    %reduce_sum3A_74 = vector.multi_reduction <add>, %integer_pow3A_72, %reduce_sum3A_73 [1] : vector<1000x1024xf32> to vector<1000xf32>
    %broadcast_in_dim3A_75 = vector.shape_cast %reduce_sum3A_74 : vector<1000xf32> to vector<1000x1xf32>
    %div3A_76 = arith.constant 1.024000e+03 : f32
    %div3A_77 = vector.broadcast %div3A_76 : f32 to vector<1000x1xf32>
    %div3A_78 = arith.divf %broadcast_in_dim3A_75, %div3A_77 : vector<1000x1xf32>
    %sub3A_79 = vector.broadcast %div3A_69 : vector<1000x1xf32> to vector<1000x1024xf32>
    %sub3A_80 = arith.subf %add3A_57, %sub3A_79 : vector<1000x1024xf32>
    %add3A_81 = arith.constant 9.99999974E-6 : f32
    %add3A_82 = vector.broadcast %add3A_81 : f32 to vector<1000x1xf32>
    %add3A_83 = arith.addf %div3A_78, %add3A_82 : vector<1000x1xf32>
    %rsqrt3A_84 = math.rsqrt %add3A_83 : vector<1000x1xf32>
    %mul3A_85 = vector.broadcast %rsqrt3A_84 : vector<1000x1xf32> to vector<1000x1024xf32>
    %mul3A_86 = arith.mulf %sub3A_80, %mul3A_85 : vector<1000x1024xf32>
    %mul3A_87 = vector.broadcast %get3A_60 : vector<1x1024xf32> to vector<1000x1024xf32>
    %mul3A_88 = arith.mulf %mul3A_86, %mul3A_87 : vector<1000x1024xf32>
    %add3A_89 = vector.broadcast %get3A_63 : vector<1x1024xf32> to vector<1000x1024xf32>
    %add3A_90 = arith.addf %mul3A_88, %add3A_89 : vector<1000x1024xf32>
    %mul3A_91 = arith.constant 0.707106769 : f32
    %mul3A_92 = vector.broadcast %mul3A_91 : f32 to vector<1000x1024xf32>
    %mul3A_93 = arith.mulf %add3A_90, %mul3A_92 : vector<1000x1024xf32>
    %erf3A_94 = math.erf %add3A_90 : vector<1000x1024xf32>
    %mul3A_95 = arith.mulf %mul3A_93, %erf3A_94 : vector<1000x1024xf32>
    %add3A_96 = arith.addf %mul3A_93, %mul3A_95 : vector<1000x1024xf32>
    %get3A_97 = arith.constant 0 : index
    %get3A_98 = arith.constant 0 : index
    %get3A_99 = vector.load %arg10[%get3A_97, %get3A_98] : memref<1024x1024xf32, #tpu.memory_space<vmem>>, vector<1024x1024xf32>
    %dot_general3A_100 = arith.constant dense<0.000000e+00> : vector<1000x1024xf32>
    %dot_general3A_101 = tpu.matmul %add3A_96, %get3A_99, %dot_general3A_100 {dimension_numbers = #tpu.dot_dimension_numbers<[1], [0], [0], [1], [0, 0, 1, 1], [], []>, transpose_lhs_hint = false} : vector<1000x1024xf32>, vector<1024x1024xf32>, vector<1000x1024xf32> -> vector<1000x1024xf32>
    %get3A_102 = arith.constant 0 : index
    %get3A_103 = arith.constant 0 : index
    %get3A_104 = vector.load %arg11[%get3A_102, %get3A_103] : memref<1x1024xf32, #tpu.memory_space<vmem>>, vector<1x1024xf32>
    %add3A_105 = vector.broadcast %get3A_104 : vector<1x1024xf32> to vector<1000x1024xf32>
    %add3A_106 = arith.addf %dot_general3A_101, %add3A_105 : vector<1000x1024xf32>
    %get3A_107 = arith.constant 0 : index
    %get3A_108 = arith.constant 0 : index
    %get3A_109 = vector.load %arg12[%get3A_107, %get3A_108] : memref<1x1024xf32, #tpu.memory_space<vmem>>, vector<1x1024xf32>
    %get3A_110 = arith.constant 0 : index
    %get3A_111 = arith.constant 0 : index
    %get3A_112 = vector.load %arg13[%get3A_110, %get3A_111] : memref<1x1024xf32, #tpu.memory_space<vmem>>, vector<1x1024xf32>
    %reduce_sum3A_113 = arith.constant dense<0.000000e+00> : vector<1000xf32>
    %reduce_sum3A_114 = vector.multi_reduction <add>, %add3A_106, %reduce_sum3A_113 [1] : vector<1000x1024xf32> to vector<1000xf32>
    %broadcast_in_dim3A_115 = vector.shape_cast %reduce_sum3A_114 : vector<1000xf32> to vector<1000x1xf32>
    %div3A_116 = arith.constant 1.024000e+03 : f32
    %div3A_117 = vector.broadcast %div3A_116 : f32 to vector<1000x1xf32>
    %div3A_118 = arith.divf %broadcast_in_dim3A_115, %div3A_117 : vector<1000x1xf32>
    %sub3A_119 = vector.broadcast %div3A_118 : vector<1000x1xf32> to vector<1000x1024xf32>
    %sub3A_120 = arith.subf %add3A_106, %sub3A_119 : vector<1000x1024xf32>
    %integer_pow3A_121 = arith.mulf %sub3A_120, %sub3A_120 : vector<1000x1024xf32>
    %reduce_sum3A_122 = arith.constant dense<0.000000e+00> : vector<1000xf32>
    %reduce_sum3A_123 = vector.multi_reduction <add>, %integer_pow3A_121, %reduce_sum3A_122 [1] : vector<1000x1024xf32> to vector<1000xf32>
    %broadcast_in_dim3A_124 = vector.shape_cast %reduce_sum3A_123 : vector<1000xf32> to vector<1000x1xf32>
    %div3A_125 = arith.constant 1.024000e+03 : f32
    %div3A_126 = vector.broadcast %div3A_125 : f32 to vector<1000x1xf32>
    %div3A_127 = arith.divf %broadcast_in_dim3A_124, %div3A_126 : vector<1000x1xf32>
    %sub3A_128 = vector.broadcast %div3A_118 : vector<1000x1xf32> to vector<1000x1024xf32>
    %sub3A_129 = arith.subf %add3A_106, %sub3A_128 : vector<1000x1024xf32>
    %add3A_130 = arith.constant 9.99999974E-6 : f32
    %add3A_131 = vector.broadcast %add3A_130 : f32 to vector<1000x1xf32>
    %add3A_132 = arith.addf %div3A_127, %add3A_131 : vector<1000x1xf32>
    %rsqrt3A_133 = math.rsqrt %add3A_132 : vector<1000x1xf32>
    %mul3A_134 = vector.broadcast %rsqrt3A_133 : vector<1000x1xf32> to vector<1000x1024xf32>
    %mul3A_135 = arith.mulf %sub3A_129, %mul3A_134 : vector<1000x1024xf32>
    %mul3A_136 = vector.broadcast %get3A_109 : vector<1x1024xf32> to vector<1000x1024xf32>
    %mul3A_137 = arith.mulf %mul3A_135, %mul3A_136 : vector<1000x1024xf32>
    %add3A_138 = vector.broadcast %get3A_112 : vector<1x1024xf32> to vector<1000x1024xf32>
    %add3A_139 = arith.addf %mul3A_137, %add3A_138 : vector<1000x1024xf32>
    %mul3A_140 = arith.constant 0.707106769 : f32
    %mul3A_141 = vector.broadcast %mul3A_140 : f32 to vector<1000x1024xf32>
    %mul3A_142 = arith.mulf %add3A_139, %mul3A_141 : vector<1000x1024xf32>
    %erf3A_143 = math.erf %add3A_139 : vector<1000x1024xf32>
    %mul3A_144 = arith.mulf %mul3A_142, %erf3A_143 : vector<1000x1024xf32>
    %add3A_145 = arith.addf %mul3A_142, %mul3A_144 : vector<1000x1024xf32>
    %get3A_146 = arith.constant 0 : index
    %get3A_147 = arith.constant 0 : index
    %get3A_148 = vector.load %arg14[%get3A_146, %get3A_147] : memref<1024x512xf32, #tpu.memory_space<vmem>>, vector<1024x512xf32>
    %dot_general3A_149 = arith.constant dense<0.000000e+00> : vector<1000x512xf32>
    %dot_general3A_150 = tpu.matmul %add3A_145, %get3A_148, %dot_general3A_149 {dimension_numbers = #tpu.dot_dimension_numbers<[1], [0], [0], [1], [0, 0, 1, 1], [], []>, transpose_lhs_hint = false} : vector<1000x1024xf32>, vector<1024x512xf32>, vector<1000x512xf32> -> vector<1000x512xf32>
    %get3A_151 = arith.constant 0 : index
    %get3A_152 = arith.constant 0 : index
    %get3A_153 = vector.load %arg15[%get3A_151, %get3A_152] : memref<1x512xf32, #tpu.memory_space<vmem>>, vector<1x512xf32>
    %add3A_154 = vector.broadcast %get3A_153 : vector<1x512xf32> to vector<1000x512xf32>
    %add3A_155 = arith.addf %dot_general3A_150, %add3A_154 : vector<1000x512xf32>
    %swap3A = arith.constant 0 : index
    %swap3A_156 = arith.constant 0 : index
    %swap3A_157 = vector.load %arg16[%swap3A, %swap3A_156] : memref<1000x512xf32, #tpu.memory_space<vmem>>, vector<1000x512xf32>
    tpu.vector_store %arg16[%swap3A, %swap3A_156], %add3A_155 {strides = array<i32>} : memref<1000x512xf32, #tpu.memory_space<vmem>>, vector<1000x512xf32>,
    return
  }
  func.func @transform_0(%arg0: i32) -> (i32, i32) {
    %c0_i32 = arith.constant 0 : i32
    %c0_i32_0 = arith.constant 0 : i32
    return %arg0, %c0_i32 : i32, i32
  }
  func.func @transform_1(%arg0: i32) -> (i32, i32, i32) {
    %c0_i32 = arith.constant 0 : i32
    %c0_i32_0 = arith.constant 0 : i32
    %c0_i32_1 = arith.constant 0 : i32
    return %c0_i32, %arg0, %c0_i32_0 : i32, i32, i32
  }
  func.func @transform_2(%arg0: i32) -> (i32, i32) {
    %c0_i32 = arith.constant 0 : i32
    %c0_i32_0 = arith.constant 0 : i32
    %c0_i32_1 = arith.constant 0 : i32
    return %c0_i32, %c0_i32_0 : i32, i32
  }
  func.func @transform_3(%arg0: i32) -> (i32, i32) {
    %c0_i32 = arith.constant 0 : i32
    %c0_i32_0 = arith.constant 0 : i32
    %c0_i32_1 = arith.constant 0 : i32
    return %c0_i32, %c0_i32_0 : i32, i32
  }
  func.func @transform_4(%arg0: i32) -> (i32, i32) {
    %c0_i32 = arith.constant 0 : i32
    %c0_i32_0 = arith.constant 0 : i32
    %c0_i32_1 = arith.constant 0 : i32
    return %c0_i32, %c0_i32_0 : i32, i32
  }
  func.func @transform_5(%arg0: i32) -> (i32, i32) {
    %c0_i32 = arith.constant 0 : i32
    %c0_i32_0 = arith.constant 0 : i32
    %c0_i32_1 = arith.constant 0 : i32
    return %c0_i32, %c0_i32_0 : i32, i32
  }
  func.func @transform_6(%arg0: i32) -> (i32, i32) {
    %c0_i32 = arith.constant 0 : i32
    %c0_i32_0 = arith.constant 0 : i32
    %c0_i32_1 = arith.constant 0 : i32
    return %c0_i32, %c0_i32_0 : i32, i32
  }
  func.func @transform_7(%arg0: i32) -> (i32, i32) {
    %c0_i32 = arith.constant 0 : i32
    %c0_i32_0 = arith.constant 0 : i32
    %c0_i32_1 = arith.constant 0 : i32
    return %c0_i32, %c0_i32_0 : i32, i32
  }
  func.func @transform_8(%arg0: i32) -> (i32, i32) {
    %c0_i32 = arith.constant 0 : i32
    %c0_i32_0 = arith.constant 0 : i32
    %c0_i32_1 = arith.constant 0 : i32
    return %c0_i32, %c0_i32_0 : i32, i32
  }
  func.func @transform_9(%arg0: i32) -> (i32, i32) {
    %c0_i32 = arith.constant 0 : i32
    %c0_i32_0 = arith.constant 0 : i32
    %c0_i32_1 = arith.constant 0 : i32
    return %c0_i32, %c0_i32_0 : i32, i32
  }
  func.func @transform_10(%arg0: i32) -> (i32, i32) {
    %c0_i32 = arith.constant 0 : i32
    %c0_i32_0 = arith.constant 0 : i32
    %c0_i32_1 = arith.constant 0 : i32
    return %c0_i32, %c0_i32_0 : i32, i32
  }
  func.func @transform_11(%arg0: i32) -> (i32, i32) {
    %c0_i32 = arith.constant 0 : i32
    %c0_i32_0 = arith.constant 0 : i32
    %c0_i32_1 = arith.constant 0 : i32
    return %c0_i32, %c0_i32_0 : i32, i32
  }
  func.func @transform_12(%arg0: i32) -> (i32, i32) {
    %c0_i32 = arith.constant 0 : i32
    %c0_i32_0 = arith.constant 0 : i32
    %c0_i32_1 = arith.constant 0 : i32
    return %c0_i32, %c0_i32_0 : i32, i32
  }
  func.func @transform_13(%arg0: i32) -> (i32, i32) {
    %c0_i32 = arith.constant 0 : i32
    %c0_i32_0 = arith.constant 0 : i32
    %c0_i32_1 = arith.constant 0 : i32
    return %c0_i32, %c0_i32_0 : i32, i32
  }
  func.func @transform_14(%arg0: i32) -> (i32, i32) {
    %c0_i32 = arith.constant 0 : i32
    %c0_i32_0 = arith.constant 0 : i32
    %c0_i32_1 = arith.constant 0 : i32
    return %c0_i32, %c0_i32_0 : i32, i32
  }
  func.func @transform_15(%arg0: i32) -> (i32, i32) {
    %c0_i32 = arith.constant 0 : i32
    %c0_i32_0 = arith.constant 0 : i32
    return %arg0, %c0_i32 : i32, i32
  }
}

</mosaic_0001>

<sc_bundles>
// kernel: kernel.5.cloned.1.call-start
scs
__scs_entry_jumppad:
0x0: {  	(pc) =	sbr.rel $0x88, $3  }
0x1: {  	(tag) =	ssettag $0x0;
	lr =	simm.s32 $0x1  }
0x2: {  	[smem:$0x3F8E] =	sst lr;
	_ =	strace $0xD0000000  }
0x3: {  	_ = 	snop  }
0x4: {  	_ = 	snop  }
0x5: {  	_ = 	snop  }
0x6: {  	_ = 	snop  }
0x7: {  	_ = 	snop  }
__scs_overlays_trampoline_lowered:
0x8: {  	[smem:$0x3F9D] =	sst s0  }
0x9: {  	[smem:$0x3F9E] =	sst s1  }
0xa: {  	[smem:$0x3F9F] =	sst s2  }
0xb: {  	[smem:$0x3FA0] =	sst s3  }
0xc: {  	[smem:$0x3FA1] =	sst s4  }
0xd: {  	[smem:$0x3FA2] =	sst s5  }
0xe: {  	[smem:$0x3FA3] =	sst s6  }
0xf: {  	[smem:$0x3FA4] =	sst s7  }
0x10: {  	[smem:$0x3FA5] =	sst s8  }
0x11: {  	[smem:$0x3FA6] =	sst s9;
	s0 =	simm.s32 @!p0 $0x0  }
0x12: {  	s1 =	sld [smem:$0x3F8C];
	s0 =	simm.s32 @p0 $0x1  }
0x13: {  	[smem:$0x3FA7] =	sst s0;
	s0 =	simm.s32 @!p1 $0x0  }
0x14: {  	s2 =	sld [smem:$0x3F8B];
	s0 =	simm.s32 @p1 $0x1  }
0x15: {  	[smem:$0x3FA8] =	sst s0;
	s0 =	simm.s32 @!p2 $0x0  }
0x16: {  	s3 =	sld [smem:$0x3FDB];
	s0 =	simm.s32 @p2 $0x1  }
0x17: {  	s4 =	simm.s32 $0x1BF5;
	[smem:$0x3FAA] =	sst s0  }
0x18: {  	s0 =	sld [smem:$0x3F8D];
	_ =	swait.ge [sflag:s4], $0x0  }
0x19: {  	s7 =	sld [smem:$0x3F8E]  }
0x1a: {  	s8 =	sadd.s32 $0xFFFFE003, lr  }
0x1b: {  	s9 =	sadd.s32 $0xFFFFFEF7, lr;
	s5 =	simm.s32 $0xFFFFFFFF;
	p2 =	slt.u32 s8, $0xFFFFF086  }
0x1c: {  	p1 =	slt.u32 s9, $0xF7A;
	s5 =	simm.s32 @!p2 $0x0  }
0x1d: {  	s5 =	simm.s32 @p1 $0x1;
	p0 =	seq.s32 s7, s2  }
0x1e: {  	s7 =	smul.u32 @!p0 $0xF7A, s2;
	p2 =	seq.s32 @!p0 s5, $0x0  }
0x1f: {  	s9 =	smul.u32 $0xF7A, s1;
	s8 =	simm.s32 @!p0 $0x1BF5;
	p2 =	por !p2, p0  }
0x20: {  	[sflag:s8] =	ssyncset.s32 @!p0 $0xFFFFF086;
	s6 =	sadd.s32 @!p0 s3, s7;
	s7 =	simm.s32 @!p0 $0x108  }
0x21: {  	s3 =	sadd.s32 s3, s9;
	s6 =	sadd.s32 @!p0 $0x88, s6;
	s7 =	simm.s32 @p2 $0x1082  }
0x22: {  	[simem:s7], [sflag:s8] =	dma.local @!p0 [hbm:s6], $0xF7A  }
0x23: {  	s9 =	sor.u32 $0xD0000000, s2;
	s6 =	simm.s32 $0x108;
	_ =	swait.ge @!p0 [sflag:s8], $0x0  }
0x24: {  	s3 =	sadd.s32 $0x88, s3;
	s6 =	simm.s32 @!p1 $0x1082;
	[sflag:s4] =	ssyncset.s32 $0xFFFFF086  }
0x25: {  	[simem:s6], [sflag:s4] =	dma.local [hbm:s3], $0xF7A  }
0x26: {  	[smem:$0x3F8E] =	sst s1;
	(tag) =	ssettag s2;
	_ =	strace s9  }
0x27: {  	s1 =	sld [smem:$0x3F9E]  }
0x28: {  	s2 =	sld [smem:$0x3F9F]  }
0x29: {  	s4 =	sld [smem:$0x3FA1]  }
0x2a: {  	p0 =	seq.s32 s5, $0x0;
	s5 =	sld [smem:$0x3FA2]  }
0x2b: {  	s6 =	sld [smem:$0x3FA3]  }
0x2c: {  	s7 =	sld [smem:$0x3FA4]  }
0x2d: {  	s3 =	simm.s32 $0x108;
	s8 =	sld [smem:$0x3FA5]  }
0x2e: {  	s3 =	simm.s32 @!p0 $0x1082;
	s9 =	sld [smem:$0x3FA6]  }
0x2f: {  	lr =	sadd.s32 s0, s3;
	s0 =	sld [smem:$0x3F9D]  }
0x30: {  	s3 =	sld [smem:$0x3FA0]  }
0x31: {  	[smem:$0x3FA9] =	sst s10  }
0x32: {  	s10 =	sld [smem:$0x3FA7];
	_ =	sdelay $0x3  }
0x33: {  	p0 =	seq.s32 s10, $0x1;
	s10 =	sld [smem:$0x3FA9];
	_ =	sdelay $0x3  }
0x34: {  	[smem:$0x3FA9] =	sst s10  }
0x35: {  	s10 =	sld [smem:$0x3FA8];
	_ =	sdelay $0x3  }
0x36: {  	p1 =	seq.s32 s10, $0x1;
	s10 =	sld [smem:$0x3FA9];
	_ =	sdelay $0x3  }
0x37: {  	[smem:$0x3FA9] =	sst s10  }
0x38: {  	s10 =	sld [smem:$0x3FAA]  }
0x39: {  	_ = 	snop;
	(pc) =	sbr.ind lr, $3  }
0x3a: {  	_ = 	snop  }
0x3b: {  	_ = 	snop  }
0x3c: {  	p2 =	seq.s32 s10, $0x1;
	s10 =	sld [smem:$0x3FA9]  }
0x3d: {  	_ =	shalt  }
0x3e: {  	_ =	shalt  }
0x3f: {  	_ =	shalt  }
0x40: {  	_ =	shalt  }
0x41: {  	_ =	shalt  }
0x42: {  	_ =	shalt  }
0x43: {  	_ =	shalt  }
0x44: {  	_ =	shalt  }
0x45: {  	_ =	shalt  }
0x46: {  	_ =	shalt  }
0x47: {  	_ =	shalt  }
0x48: {  	_ =	shalt  }
0x49: {  	_ =	shalt  }
0x4a: {  	_ =	shalt  }
0x4b: {  	_ =	shalt  }
0x4c: {  	_ =	shalt  }
0x4d: {  	_ =	shalt  }
0x4e: {  	_ =	shalt  }
0x4f: {  	_ =	shalt  }
0x50: {  	_ =	shalt  }
0x51: {  	_ =	shalt  }
0x52: {  	_ =	shalt  }
0x53: {  	_ =	shalt  }
0x54: {  	_ =	shalt  }
0x55: {  	_ =	shalt  }
0x56: {  	_ =	shalt  }
0x57: {  	_ =	shalt  }
0x58: {  	_ =	shalt  }
0x59: {  	_ =	shalt  }
0x5a: {  	_ =	shalt  }
0x5b: {  	_ =	shalt  }
0x5c: {  	_ =	shalt  }
0x5d: {  	_ =	shalt  }
0x5e: {  	_ =	shalt  }
0x5f: {  	_ =	shalt  }
0x60: {  	_ =	shalt  }
0x61: {  	_ =	shalt  }
0x62: {  	_ =	shalt  }
0x63: {  	_ =	shalt  }
0x64: {  	_ =	shalt  }
0x65: {  	_ =	shalt  }
0x66: {  	_ =	shalt  }
0x67: {  	_ =	shalt  }
0x68: {  	_ =	shalt  }
0x69: {  	_ =	shalt  }
0x6a: {  	_ =	shalt  }
0x6b: {  	_ =	shalt  }
0x6c: {  	_ =	shalt  }
0x6d: {  	_ =	shalt  }
0x6e: {  	_ =	shalt  }
0x6f: {  	_ =	shalt  }
0x70: {  	_ =	shalt  }
0x71: {  	_ =	shalt  }
0x72: {  	_ =	shalt  }
0x73: {  	_ =	shalt  }
0x74: {  	_ =	shalt  }
0x75: {  	_ =	shalt  }
0x76: {  	_ =	shalt  }
0x77: {  	_ =	shalt  }
0x78: {  	_ =	shalt  }
0x79: {  	_ =	shalt  }
0x7a: {  	_ =	shalt  }
0x7b: {  	_ =	shalt  }
0x7c: {  	_ =	shalt  }
0x7d: {  	_ =	shalt  }
0x7e: {  	_ =	shalt  }
0x7f: {  	_ =	shalt  }
0x80: {  	_ =	shalt  }
0x81: {  	_ =	shalt  }
0x82: {  	_ =	shalt  }
0x83: {  	_ =	shalt  }
0x84: {  	_ =	shalt  }
0x85: {  	_ =	shalt  }
0x86: {  	_ =	shalt  }
0x87: {  	_ =	shalt  }
.Lfunc_end0:
.L_simem_size_0:
called_computation_lowered:
.L_overlay_start_0:
0x88: {  	s2 =	sld [smem:$0x3FD9]  }
0x89: {  	s3 =	sld [smem:$0x3FFE];
	_ =	sdelay $0x1  }
0x8a: {  	s1 =	srdreg.scid  }
0x8b: {  	s0 =	sand.u32 $0x1, s1  }
0x8c: {  	s17 =	sshll.u32 s0, $0xA;
	s2 =	sadd.s32 s3, s2  }
0x8d: {  	s2 =	sadd.s32 s2, s17  }
0x8e: {  	[smem:$0x3FB5] =	sst s2  }
0x8f: {  	_ = 	snop  }
0x90: {  	s2 =	sld [smem:$0x3FC7]  }
0x91: {  	s18 =	sld [smem:$0x3FD0];
	(tm) =	ssettm $0x1  }
0x92: {  	s4 =	sld [smem:$0x3FFB];
	_ =	sdelay $0x3  }
0x93: {  	_ =	strace s4  }
0x94: {  	s4 =	sld [smem:$0x3FFC];
	_ =	sdelay $0x3  }
0x95: {  	_ =	strace s4  }
0x96: {  	s4 =	sld [smem:$0x3FFD];
	_ =	sdelay $0x3  }
0x97: {  	_ =	strace s4  }
0x98: {  	_ =	strace $0x8FFFFFFF  }
0x99: {  	s19 =	sld [smem:$0x3FDB];
	_ =	sdelay $0x1  }
0x9a: {  	s5 =	simm.s32 $_scs_section_size  }
0x9b: {  	s6 =	simm.s32 $_size__tile_overlayer_lowered;
	s7 =	simm.s32 $_tile_overlayer_lowered  }
0x9c: {  	s22 =	simm.s32 $0x1BFF;
	s21 =	sshll.u32 s7, $0x1;
	s4 =	sadd.s32 s5, s19  }
0x9d: {  	s8 =	simm.s32 $0x0;
	s20 =	sshll.u32 s6, $0x1;
	s6 =	sadd.s32 s21, s4  }
0x9e: {  	[timem:s8], [sflag:s22] =	dma.local [hbm:s6], s20  }
0x9f: {  	_ =	swait.ge [sflag:s22], s20  }
0xa0: {  	s5 =	ssub.s32 $0x0, s20;
	[sflag:s22] =	ssyncset.done $0x0  }
0xa1: {  	[sflag:s22] =	ssyncadd.s32 s5;
	_ =	sdelay $0x1  }
0xa2: {  	s23 =	simm.s32 $0x1B8B  }
0xa3: {  	_ =	swait.ge [sflag:s23], $0x1  }
0xa4: {  	[sflag:s23] =	ssyncset.done $0x0  }
0xa5: {  	s25 =	simm.s32 $0x1B8E;
	s24 =	sld [smem:$0x3FFE];
	[sflag:s23] =	ssyncadd.s32 $0xFFFFFFFF  }
0xa6: {  	s26 =	simm.s32 $execute0_lowered;
	[smem:$0x3FD2] =	sst s25  }
0xa7: {  	s6 =	sshll.u32 s26, $0x1;
	_ =	strace $0x80000046;
	[dreg:$0x1] =	wrdreg $0xFFFFFFFF  }
0xa8: {  	s28 =	simm.s32 $_size_execute0_lowered;
	s4 =	sadd.s32 s4, s6;
	[dreg:$0x0] =	wrdreg $0x0  }
0xa9: {  	s6 =	sshll.u32 s28, $0x1;
	[dreg:$0x2] =	wrdreg s4  }
0xaa: {  	[dreg:$0x3] =	wrdreg s6  }
0xab: {  	[dreg:$0x4] =	wrdreg $0xC0  }
0xac: {  	_ =	task [dreg:s8], $0x5FFFF  }
0xad: {  	[dreg:$0x1] =	wrdreg $0xFFFFFFFF  }
0xae: {  	[dreg:$0x0] =	wrdreg $0x60  }
0xaf: {  	[dreg:$0x2] =	wrdreg s24  }
0xb0: {  	[dreg:$0x3] =	wrdreg s2  }
0xb1: {  	[dreg:$0x4] =	wrdreg s18  }
0xb2: {  	[dreg:$0x5] =	wrdreg $0xB8000  }
0xb3: {  	[dreg:$0x6] =	wrdreg $0x9  }
0xb4: {  	_ =	task.clear_ibuf [dreg:s8], $0x7FFFF;
	_ =	strace $0x90000046  }
0xb5: {  	s29 =	simm.s32 $0x9;
	_ =	strace $0x80000048  }
0xb6: {  	_ =	swait.ge [sflag:s29], $0x1  }
0xb7: {  	[sflag:s29] =	ssyncadd.s32 $0xFFFFFFFF  }
0xb8: {  	_ =	strace $0x90000048  }
0xb9: {  	_ =	sfence  }
0xba: {  	s30 =	sld [smem:$0x0];
	_ =	sdelay $0x2  }
0xbb: {  	s31 =	sshll.u32 s1, $0xD;
	s1 =	sshrl.u32 s1, $0x2  }
0xbc: {  	s3 =	sand.u32 $0x4000, s31;
	s1 =	sadd.s32 s1, s30  }
0xbd: {  	s0 =	sor.u32 s3, s0;
	s1 =	sshll.u32 s1, $0x11  }
0xbe: {  	s0 =	sor.u32 s1, s0  }
0xbf: {  	s0 =	sadd.s32 $0x8F2B, s0  }
0xc0: {  	[sflag:s0] =	ssyncadd.remote.s32 $0x1  }
0xc1: {  	_ =	sfence.sel $0xFFFF  }
0xc2: {  	[dreg:$0x0] =	wrdreg $0xFFFFFFFF;
	(pc) =	sbr.abs _section_cstart, $3  }
0xc3: {  	[dreg:$0x1] =	wrdreg $0xFFFFFFFF  }
0xc4: {  	_ =	task.clear_ibuf [dreg:s8], $0x2FFFF;
	_ =	strace $0x9FFFFFFF  }
0xc5: {  	(tm) =	ssettm $0x7FFFFFFF  }
tec
execute0_lowered:
.L_overlay_start_1:
0x0: {  	(tag) =	ssettag $0x1  }
0x1: {  	s0 =	rddreg [dreg:$0x0]  }
0x2: {  	s1 =	rddreg [dreg:$0x1]  }
0x3: {  	s10 =	rddreg [dreg:$0x2]  }
0x4: {  	s2 =	rddreg [dreg:$0x3];
	s3 =	simm.s32 $0x0  }
0x5: {  	s4 =	srdreg.scid;
	s16 =	stileid.u32;
	s17 =	simm.s32 $0x6800  }
0x6: {  	s18 =	simm.s32 $0x9000;
	s19 =	simm.s32 $0x1;
	s28 =	simm.s32 $0x3D80  }
0x7: {  	s29 =	simm.s32 $0x3E00;
	s30 =	simm.s32 $0x0;
	[smem:$0x7FF] =	sst s3  }
0x8: {  	s11 =	sand.u32 $0x1, s4;
	s20 =	sshll.u32 s16, $0x1;
	s8 =	smul.u32 $0x4F000, s16  }
0x9: {  	s23 =	sshll.u32 s16, $0x6;
	s14 =	smul.u32 $0x4E200, s16;
	_ =	strace $0x80000047  }
0xa: {  	s6 =	sor.u32 s11, s20;
	s5 =	ssub.s32 $0x2, s11;
	s12 =	smul.u32 $0x27800, s11  }
0xb: {  	s15 =	smul.u32 $0x27100, s11;
	s20 =	simm.s32 $0x50;
	s4 =	sshll.u32 s6, $0xB  }
0xc: {  	s7 =	sshrl.u32 s5, $0x1;
	s22 =	sshrl.u32 s8, $0x2;
	s24 =	smul.u32 $0x138800, s6  }
0xd: {  	s25 =	smul.u32 $0x27100, s6;
	s9 =	sadd.s32 s4, s0;
	s4 =	sadd.s32 $0x12400, s0  }
0xe: {  	s21 =	ssub.s32 s5, s7;
	s13 =	sadd.s32 s22, s2;
	s5 =	sor.u32 $0x1C04, s23  }
0xf: {  	s22 =	simm.s32 $0x3;
	s6 =	sadd.s32 $0x2400, s9;
	s8 =	sshrl.u32 s24, $0x3  }
0x10: {  	s7 =	sadd.s32 s1, s25;
	s24 =	sadd.s32 s10, s12;
	s25 =	smul.u32 $0x2780, s16  }
0x11: {  	s10 =	smax.u32 s21, $0x1;
	s16 =	simm.s32 $0x4000;
	s21 =	simm.s32 $0x2  }
0x12: {  	s26 =	sadd.s32 s1, s8;
	s1 =	sadd.s32 s14, s1;
	s11 =	sadd.s32 $0x26700, s7  }
0x13: {  	s12 =	sadd.s32 $0x26C00, s7;
	s14 =	sshrl.u32 s13, $0x3;
	s8 =	sadd.s32 $0x500, s26  }
0x14: {  	s9 =	sadd.s32 $0xA00, s26;
	s31 =	sadd.s32 s15, s1;
	s15 =	simm.s32 $0x4  }
0x15: {  	s24 =	sadd.s32 s25, s24;
	s26 =	simm.s32 $0x3D00;
	s1 =	sadd.s32 $0x1900, s31  }
.LBB2_1:
0x16: {  	[spmem:s14], [sflag:s5] =	dma.local [hbm:s4], $0x2780  }
0x17: {  	_ =	swait.ge [sflag:s15], $0x2780  }
0x18: {  	[sflag:s15] =	ssyncset.done $0x0  }
0x19: {  	[sflag:s15] =	ssyncadd.s32 $0xFFFFD880  }
0x1a: {  	[tilespmem:s3], [sflag:$0x4] =	stream.linear.gather [hbm4b:s6+s3], $0x3E80, $0x38;
	[tilespmem:$0x1F400] =	vst v63  }
0x1b: {  	_ =	swait.ge [sflag:s15], $0x3E80  }
0x1c: {  	[sflag:s15] =	ssyncset.done $0x0  }
0x1d: {  	[sflag:s15] =	ssyncadd.s32 $0xFFFFC180  }
0x1e: {  	[bflag:$0x0] =	sbarrier.arrive $0xFFFF  }
0x1f: {  	[tilespmem:s16], [sflag:$0x1] =	stream.linear.gather [hbm4b:s7+s3], $0x2800, $0x38;
	[tilespmem:$0x1F400] =	vst v63  }
0x20: {  	_ = 	snop  }
0x21: {  	[tilespmem:s17], [sflag:$0x2] =	stream.linear.gather [hbm4b:s8+s3], $0x2800, $0x38;
	[tilespmem:$0x1F400] =	vst v63  }
0x22: {  	_ = 	snop  }
0x23: {  	[tilespmem:s18], [sflag:$0x3] =	stream.linear.gather [hbm4b:s9+s3], $0x2800, $0x38;
	[tilespmem:$0x1F400] =	vst v63  }
0x24: {  	_ =	swait.ge [sflag:s19], $0x2800  }
0x25: {  	[sflag:s19] =	ssyncset.done $0x0  }
0x26: {  	s0 =	simm.s32 $0x0;
	[sflag:s19] =	ssyncadd.s32 $0xFFFFD800  }
0x27: {  	[spmem:s2] =	stream.indirect.scatter.add.f32 [tilespmem:s16], [sflag:$0x4], $0x80, s0, s20, $0xb8;
	[tilespmem:$0x1F400] =	vst v63  }
0x28: {  	_ =	swait.ge [sflag:s15], $0x2800  }
0x29: {  	[sflag:s15] =	ssyncset.done $0x0  }
0x2a: {  	s25 =	sadd.s32 $0xFFFFF600, s1;
	[sflag:s15] =	ssyncadd.s32 $0xFFFFD800  }
0x2b: {  	[tilespmem:s16], [sflag:$0x1] =	stream.linear.gather [hbm4b:s25+s3], $0x2800, $0x38;
	[tilespmem:$0x1F400] =	vst v63  }
0x2c: {  	_ =	swait.ge [sflag:s21], $0x2800  }
0x2d: {  	[sflag:s21] =	ssyncset.done $0x0  }
0x2e: {  	s13 =	simm.s32 $0x80;
	[sflag:s21] =	ssyncadd.s32 $0xFFFFD800  }
0x2f: {  	[spmem:s2] =	stream.indirect.scatter.add.f32 [tilespmem:s17], [sflag:$0x4], $0x80, s13, s20, $0xb8;
	[tilespmem:$0x1F400] =	vst v63  }
0x30: {  	_ =	swait.ge [sflag:s15], $0x2800  }
0x31: {  	[sflag:s15] =	ssyncset.done $0x0  }
0x32: {  	s23 =	sadd.s32 $0xFFFFFB00, s1;
	[sflag:s15] =	ssyncadd.s32 $0xFFFFD800  }
0x33: {  	[tilespmem:s17], [sflag:$0x2] =	stream.linear.gather [hbm4b:s23+s3], $0x2800, $0x38;
	[tilespmem:$0x1F400] =	vst v63  }
0x34: {  	_ =	swait.ge [sflag:s22], $0x2800  }
0x35: {  	[sflag:s22] =	ssyncset.done $0x0  }
0x36: {  	s25 =	simm.s32 $0x100;
	[sflag:s22] =	ssyncadd.s32 $0xFFFFD800  }
0x37: {  	[spmem:s2] =	stream.indirect.scatter.add.f32 [tilespmem:s18], [sflag:$0x4], $0x80, s25, s20, $0xb8;
	[tilespmem:$0x1F400] =	vst v63  }
0x38: {  	_ =	swait.ge [sflag:s15], $0x2800  }
0x39: {  	s31 =	simm.s32 $0x600;
	[sflag:s15] =	ssyncset.done $0x0  }
0x3a: {  	s0 =	sadd.s32 $0xF00, s1;
	s13 =	smov.u32 s1;
	[sflag:s15] =	ssyncadd.s32 $0xFFFFD800  }
.LBB2_2:
0x3b: {  	[tilespmem:s18], [sflag:$0x3] =	stream.linear.gather [hbm4b:s13+s3], $0x2800, $0x38;
	[tilespmem:$0x1F400] =	vst v63  }
0x3c: {  	s23 =	smov.u32 s31;
	s13 =	smov.u32 s0  }
0x3d: {  	p0 =	sne.s32 s31, $0xEA00;
	s31 =	sadd.s32 $0x600, s31;
	_ =	swait.ge [sflag:s19], $0x2800  }
0x3e: {  	[sflag:s19] =	ssyncset.done $0x0  }
0x3f: {  	s23 =	sshra.s32 s23, $0x2;
	[sflag:s19] =	ssyncadd.s32 $0xFFFFD800  }
0x40: {  	[spmem:s2] =	stream.indirect.scatter.add.f32 [tilespmem:s16], [sflag:$0x4], $0x80, s23, s20, $0xb8;
	[tilespmem:$0x1F400] =	vst v63  }
0x41: {  	_ =	swait.ge [sflag:s15], $0x2800  }
0x42: {  	[sflag:s15] =	ssyncset.done $0x0  }
0x43: {  	s25 =	sadd.s32 $0xFFFFF600, s0;
	[sflag:s15] =	ssyncadd.s32 $0xFFFFD800  }
0x44: {  	[tilespmem:s16], [sflag:$0x1] =	stream.linear.gather [hbm4b:s25+s3], $0x2800, $0x38;
	[tilespmem:$0x1F400] =	vst v63  }
0x45: {  	_ =	swait.ge [sflag:s21], $0x2800  }
0x46: {  	[sflag:s21] =	ssyncset.done $0x0  }
0x47: {  	s25 =	sadd.s32 $0x80, s23;
	[sflag:s21] =	ssyncadd.s32 $0xFFFFD800  }
0x48: {  	[spmem:s2] =	stream.indirect.scatter.add.f32 [tilespmem:s17], [sflag:$0x4], $0x80, s25, s20, $0xb8;
	[tilespmem:$0x1F400] =	vst v63  }
0x49: {  	_ =	swait.ge [sflag:s15], $0x2800  }
0x4a: {  	[sflag:s15] =	ssyncset.done $0x0  }
0x4b: {  	s25 =	sadd.s32 $0xFFFFFB00, s0;
	[sflag:s15] =	ssyncadd.s32 $0xFFFFD800  }
0x4c: {  	[tilespmem:s17], [sflag:$0x2] =	stream.linear.gather [hbm4b:s25+s3], $0x2800, $0x38;
	[tilespmem:$0x1F400] =	vst v63  }
0x4d: {  	_ =	swait.ge [sflag:s22], $0x2800  }
0x4e: {  	[sflag:s22] =	ssyncset.done $0x0  }
.Ltmp0:
0x4f: {  	s23 =	sadd.s32 $0x100, s23;
	[sflag:s22] =	ssyncadd.s32 $0xFFFFD800;
	(pc) =	sbr.rel @p0 .LBB2_2-.Ltmp0, $4  }
0x50: {  	[spmem:s2] =	stream.indirect.scatter.add.f32 [tilespmem:s18], [sflag:$0x4], $0x80, s23, s20, $0xb8;
	[tilespmem:$0x1F400] =	vst v63  }
0x51: {  	_ =	swait.ge [sflag:s15], $0x2800  }
0x52: {  	[sflag:s15] =	ssyncset.done $0x0  }
0x53: {  	s0 =	sadd.s32 $0xF00, s0;
	[sflag:s15] =	ssyncadd.s32 $0xFFFFD800  }
0x54: {  	[tilespmem:s18], [sflag:$0x3] =	stream.linear.gather [hbm4b:s13+s3], $0x2800, $0x38;
	[tilespmem:$0x1F400] =	vst v63  }
0x55: {  	_ =	swait.ge [sflag:s19], $0x2800  }
0x56: {  	[sflag:s19] =	ssyncset.done $0x0  }
0x57: {  	s0 =	simm.s32 $0x3C00;
	[sflag:s19] =	ssyncadd.s32 $0xFFFFD800  }
0x58: {  	[spmem:s2] =	stream.indirect.scatter.add.f32 [tilespmem:s16], [sflag:$0x4], $0x80, s0, s20, $0xb8;
	[tilespmem:$0x1F400] =	vst v63  }
0x59: {  	_ =	swait.ge [sflag:s15], $0x2800  }
0x5a: {  	[sflag:s15] =	ssyncset.done $0x0  }
0x5b: {  	[sflag:s15] =	ssyncadd.s32 $0xFFFFD800  }
0x5c: {  	[tilespmem:s16], [sflag:$0x1] =	stream.linear.gather [hbm4b:s11+s3], $0x2800, $0x38;
	[tilespmem:$0x1F400] =	vst v63  }
0x5d: {  	_ =	swait.ge [sflag:s21], $0x2800  }
0x5e: {  	[sflag:s21] =	ssyncset.done $0x0  }
0x5f: {  	s31 =	simm.s32 $0x3C80;
	[sflag:s21] =	ssyncadd.s32 $0xFFFFD800  }
0x60: {  	[spmem:s2] =	stream.indirect.scatter.add.f32 [tilespmem:s17], [sflag:$0x4], $0x80, s31, s20, $0xb8;
	[tilespmem:$0x1F400] =	vst v63  }
0x61: {  	_ =	swait.ge [sflag:s15], $0x2800  }
0x62: {  	[sflag:s15] =	ssyncset.done $0x0  }
0x63: {  	[sflag:s15] =	ssyncadd.s32 $0xFFFFD800  }
0x64: {  	[tilespmem:s17], [sflag:$0x2] =	stream.linear.gather [hbm4b:s12+s3], $0x2800, $0x38;
	[tilespmem:$0x1F400] =	vst v63  }
0x65: {  	_ =	swait.ge [sflag:s22], $0x2800  }
0x66: {  	[sflag:s22] =	ssyncset.done $0x0  }
0x67: {  	[sflag:s22] =	ssyncadd.s32 $0xFFFFD800  }
0x68: {  	[spmem:s2] =	stream.indirect.scatter.add.f32 [tilespmem:s18], [sflag:$0x4], $0x80, s26, s20, $0xb8;
	[tilespmem:$0x1F400] =	vst v63  }
0x69: {  	_ =	swait.ge [sflag:s15], $0x2800  }
0x6a: {  	[sflag:s15] =	ssyncset.done $0x0  }
0x6b: {  	[sflag:s15] =	ssyncadd.s32 $0xFFFFD800  }
0x6c: {  	_ =	swait.ge [sflag:s19], $0x2800  }
0x6d: {  	[sflag:s19] =	ssyncset.done $0x0  }
0x6e: {  	[sflag:s19] =	ssyncadd.s32 $0xFFFFD800  }
0x6f: {  	[spmem:s2] =	stream.indirect.scatter.add.f32 [tilespmem:s16], [sflag:$0x4], $0x80, s28, s20, $0xb8;
	[tilespmem:$0x1F400] =	vst v63  }
0x70: {  	_ =	swait.ge [sflag:s15], $0x2800  }
0x71: {  	[sflag:s15] =	ssyncset.done $0x0  }
0x72: {  	[sflag:s15] =	ssyncadd.s32 $0xFFFFD800  }
0x73: {  	_ =	swait.ge [sflag:s21], $0x2800  }
0x74: {  	[sflag:s21] =	ssyncset.done $0x0  }
0x75: {  	[sflag:s21] =	ssyncadd.s32 $0xFFFFD800  }
0x76: {  	[spmem:s2] =	stream.indirect.scatter.add.f32 [tilespmem:s17], [sflag:$0x4], $0x80, s29, s20, $0xb8;
	[tilespmem:$0x1F400] =	vst v63  }
0x77: {  	_ =	swait.ge [sflag:s15], $0x2800  }
0x78: {  	s30 =	sadd.s32 $0x1, s30;
	[sflag:s15] =	ssyncset.done $0x0  }
0x79: {  	p0 =	sne.s32 s30, s10;
	[sflag:s15] =	ssyncadd.s32 $0xFFFFD800  }
.Ltmp1:
0x7a: {  	[bflag:$0x0] =	sbarrier.arrive $0xFFFF;
	(pc) =	sbr.rel @p0 .LBB2_1-.Ltmp1, $4  }
0x7b: {  	[hbm:s24], [sflag:s5] =	dma.local [spmem:s14], $0x2780  }
0x7c: {  	_ =	swait.ge [sflag:s15], $0x2780  }
0x7d: {  	[sflag:s15] =	ssyncset.done $0x0  }
0x7e: {  	[sflag:s15] =	ssyncadd.s32 $0xFFFFD880  }
0x7f: {  	_ =	sfence.sel $0x180000  }
0x80: {  	[bflag:$0x0] =	sbarrier.arrive $0xFFFF  }
0x81: {  	_ =	strace $0x90000047  }
0x82: {  	s0 =	stileid.u32;
	[bflag:$0x2] =	sbarrier.arrive $0xFFFF  }
0x83: {  	p0 =	sne.s32 s0, $0x0;
	s0 =	rddreg [dreg:$0x4]  }
0x84: {  	s0 =	sadd.s32 @!p0 $0x100000, s0  }
0x85: {  	[sflag:s0] =	ssyncadd.tile.s32 @!p0 $0x1;
	_ =	shalt  }
.Lfunc_end2:
_tile_overlayer_lowered:
.L_overlay_start_2:
0x86: {  	(tag) =	ssettag $0x2  }
0x87: {  	s0 =	rddreg [dreg:$0x0];
	s2 =	stileid.u32  }
0x88: {  	s1 =	rddreg [dreg:$0x1];
	p0 =	sne.s32 s2, $0x0  }
0x89: {  	s3 =	rddreg [dreg:$0x2];
	[bflag:$0x3] =	sbarrier.arrive $0xFFFF;
	s2 =	simm.s32 @!p0 $0x1C04  }
0x8a: {  	[timem:s3], [sflag:s2] =	dma.local @!p0 [hbm:s0], s1  }
0x8b: {  	s0 =	simm.s32 @!p0 $0x4  }
0x8c: {  	_ =	swait.ge @!p0 [sflag:s0], s1  }
0x8d: {  	s1 =	ssub.s32 @!p0 $0x0, s1;
	[sflag:s0] =	ssyncset.done @!p0 $0x0  }
0x8e: {  	[sflag:s0] =	ssyncadd.s32 @!p0 s1  }
0x8f: {  	[bflag:$0x3] =	sbarrier.arrive $0xFFFF  }
0x90: {  	_ =	shalt  }

</sc_bundles>
